<compile_context>
chip_gen: v7x
topology: tpu7x:2x2x1
jax: 0.10.2.dev20260603
libtpu: 0.0.44.dev20260713+nightly
codegen_flags: <defaults>
</compile_context>

<pallas_src>
import jax
import jax.numpy as jnp
from jax import lax
from jax.experimental import pallas as pl
from jax.experimental.pallas import tpu as pltpu
from jax.experimental.pallas import tpu_sc as plsc

T, B, C = 576, 64, 768
REMAIN = T // 4
N_OUT = REMAIN * B
NW = 32
ROWS_PER_W = N_OUT // NW
CH = 32
NCHUNK = ROWS_PER_W // CH
L = 16
NBUF = 4
G = 2
W = NBUF - G


def _body(fwd_hbm, patches_hbm, out_hbm, fwdv, idxv, buf0, buf1, buf2, buf3,
          gsem0, gsem1, gsem2, gsem3, wsem0, wsem1, wsem2, wsem3):
    wid = lax.axis_index("s") * 2 + lax.axis_index("c")
    base = wid * ROWS_PER_W

    pltpu.sync_copy(fwd_hbm.at[pl.ds(base, ROWS_PER_W)], fwdv)

    lanes = lax.iota(jnp.int32, L)
    for i in range(ROWS_PER_W // L):
        off = lax.rem(base + i * L, B)
        v = fwdv[pl.ds(i * L, L)]
        idxv[pl.ds(i * L, L)] = v * B + off + lanes

    bufs = (buf0, buf1, buf2, buf3)
    gsems = (gsem0, gsem1, gsem2, gsem3)
    wsems = (wsem0, wsem1, wsem2, wsem3)
    gathers = [None] * NCHUNK
    writes = [None] * NCHUNK
    waited = [False] * NCHUNK

    def start_gather(j):
        gathers[j] = pltpu.async_copy(
            patches_hbm.at[idxv.at[pl.ds(j * CH, CH)]], bufs[j % NBUF], gsems[j % NBUF]
        )

    for j in range(min(G, NCHUNK)):
        start_gather(j)
    for j in range(NCHUNK):
        gathers[j].wait()
        writes[j] = pltpu.async_copy(
            bufs[j % NBUF], out_hbm.at[pl.ds(base + j * CH, CH)], wsems[j % NBUF]
        )
        nxt = j + G
        if nxt < NCHUNK:
            prev = nxt - NBUF
            if prev >= 0:
                writes[prev].wait()
                waited[prev] = True
            start_gather(nxt)
    for j in range(NCHUNK):
        if not waited[j]:
            writes[j].wait()


@jax.jit
def _gather(fwd_flat, patches_flat):
    mesh = plsc.VectorSubcoreMesh(core_axis_name="c", subcore_axis_name="s")
    return pl.kernel(
        _body,
        out_type=jax.ShapeDtypeStruct((N_OUT, C), jnp.float32),
        mesh=mesh,
        scratch_types=[
            pltpu.VMEM((ROWS_PER_W,), jnp.int32),
            pltpu.VMEM((ROWS_PER_W,), jnp.int32),
            pltpu.VMEM((CH, C), jnp.float32),
            pltpu.VMEM((CH, C), jnp.float32),
            pltpu.VMEM((CH, C), jnp.float32),
            pltpu.VMEM((CH, C), jnp.float32),
            pltpu.SemaphoreType.DMA,
            pltpu.SemaphoreType.DMA,
            pltpu.SemaphoreType.DMA,
            pltpu.SemaphoreType.DMA,
            pltpu.SemaphoreType.DMA,
            pltpu.SemaphoreType.DMA,
            pltpu.SemaphoreType.DMA,
            pltpu.SemaphoreType.DMA,
        ],
    )(fwd_flat, patches_flat)


def kernel(patches, forward_indexes, backward_indexes):
    fwd_flat = forward_indexes.astype(jnp.int32).reshape(T * B)
    patches_flat = patches.reshape(T * B, C)
    kept = _gather(fwd_flat, patches_flat).reshape(REMAIN, B, C)
    return (kept, forward_indexes, backward_indexes)

# --- scband reference (transcript-rebuilt; emitter-appended) ---
"""Pipeline reference for scband-patch-shuffle-40793599377627 (READ-ONLY COPY).

The authoritative reference and input builder live on the scoring server;
editing this copy changes nothing except your own understanding.
"""

import jax, jax.numpy as jnp
import numpy as np

T, B, C = 576, 64, 768
RATIO = 0.75

def setup_inputs(seed: int = 0) -> dict:
    key = jax.random.key(seed)
    k1, k2 = jax.random.split(key)
    patches = jax.random.normal(k1, (T, B, C), dtype=jnp.float32)
    # per-batch-column random permutations of [0, T), as in random_indexes()
    rnd = jax.random.uniform(k2, (T, B))
    forward_indexes = jnp.argsort(rnd, axis=0).astype(jnp.int64)
    backward_indexes = jnp.argsort(forward_indexes, axis=0).astype(jnp.int64)
    return {"patches": patches, "forward_indexes": forward_indexes, "backward_indexes": backward_indexes}

def take_indexes(sequences, indexes):
    # torch.gather(sequences, 0, repeat(indexes, 't b -> t b c'))
    t, b, c = sequences.shape
    idx = jnp.broadcast_to(indexes[:, :, None], (indexes.shape[0], b, c))
    return jnp.take_along_axis(sequences, idx, axis=0)

def reference(patches, forward_indexes, backward_indexes):
    t, b, c = patches.shape
    remain_T = int(t * (1 - RATIO))  # deterministic branch of the random +12 choice
    shuffled = take_indexes(patches, forward_indexes)
    kept = shuffled[:remain_T]
    return (kept, forward_indexes, backward_indexes)

if __name__ == "__main__":
    import jax
    _d = setup_inputs()
    print(jax.jit(kernel)(*tuple(_d.values())))

</pallas_src>

<mosaic_0001>
#map = affine_map<(d0, d1) -> (0)>
#map1 = affine_map<(d0, d1) -> (0, 0)>
module attributes {stable_mosaic.version = 14 : i64} {
  func.func @_body(%arg0: i32, %arg1: i32, %arg2: memref<36864xi32, #tpu.memory_space<hbm>>, %arg3: memref<36864x768xf32, #tpu.memory_space<hbm>>, %arg4: memref<9216x768xf32, #tpu.memory_space<hbm>>, %arg5: memref<288xi32, #tpu.memory_space<vmem>>, %arg6: memref<288xi32, #tpu.memory_space<vmem>>, %arg7: memref<32x768xf32, #tpu.memory_space<vmem>>, %arg8: memref<32x768xf32, #tpu.memory_space<vmem>>, %arg9: memref<32x768xf32, #tpu.memory_space<vmem>>, %arg10: memref<32x768xf32, #tpu.memory_space<vmem>>, %arg11: memref<!tpu.dma_semaphore, #tpu.memory_space<semaphore_mem>>, %arg12: memref<!tpu.dma_semaphore, #tpu.memory_space<semaphore_mem>>, %arg13: memref<!tpu.dma_semaphore, #tpu.memory_space<semaphore_mem>>, %arg14: memref<!tpu.dma_semaphore, #tpu.memory_space<semaphore_mem>>, %arg15: memref<!tpu.dma_semaphore, #tpu.memory_space<semaphore_mem>>, %arg16: memref<!tpu.dma_semaphore, #tpu.memory_space<semaphore_mem>>, %arg17: memref<!tpu.dma_semaphore, #tpu.memory_space<semaphore_mem>>, %arg18: memref<!tpu.dma_semaphore, #tpu.memory_space<semaphore_mem>>) attributes {dimension_semantics = [#tpu.dimension_semantics<core_parallel>, #tpu.dimension_semantics<subcore_parallel>], iteration_bounds = array<i64: 2, 16>, scalar_prefetch = 0 : i64, scratch_operands = 14 : i64, tpu.core_type = #tpu.core_type<sc_vector_subcore>, window_params = [{transform_indices = #map}, {transform_indices = #map1}, {transform_indices = #map1}]} {
    %mul3A = arith.constant 2 : i32
    %mul3A_0 = arith.muli %arg1, %mul3A : i32
    %add3A = arith.addi %mul3A_0, %arg0 : i32
    %mul3A_1 = arith.constant 288 : i32
    %mul3A_2 = arith.muli %add3A, %mul3A_1 : i32
    "tpu.region"() ({
      %run_scoped3A = tpu.sem_alloc : memref<!tpu.dma_semaphore, #tpu.memory_space<semaphore_mem>>
      %dma_start3A_484 = tpu.memref_slice %arg2[%mul3A_2] : memref<36864xi32, #tpu.memory_space<hbm>> -> memref<288xi32, #tpu.memory_space<hbm>>
      %dma_start3A_485 = tpu.memref_slice %arg2[%mul3A_2] : memref<36864xi32, #tpu.memory_space<hbm>> -> memref<288xi32, #tpu.memory_space<hbm>>
      tpu.enqueue_dma source(%dma_start3A_485 : memref<288xi32, #tpu.memory_space<hbm>>) target(%arg5 : memref<288xi32, #tpu.memory_space<vmem>>) target_semaphore(%run_scoped3A : memref<!tpu.dma_semaphore, #tpu.memory_space<semaphore_mem>>)
      %dma_wait3A_486 = tpu.memref_slice %arg2[%mul3A_2] : memref<36864xi32, #tpu.memory_space<hbm>> -> memref<288xi32, #tpu.memory_space<hbm>>
      %dma_wait3A_487 = tpu.memref_slice %arg2[%mul3A_2] : memref<36864xi32, #tpu.memory_space<hbm>> -> memref<288xi32, #tpu.memory_space<hbm>>
      tpu.wait_dma2 semaphore(%run_scoped3A : memref<!tpu.dma_semaphore, #tpu.memory_space<semaphore_mem>>) src(%dma_wait3A_487 : memref<288xi32, #tpu.memory_space<hbm>>) dst(%arg5 : memref<288xi32, #tpu.memory_space<vmem>>)
      tpu.yield
    }) : () -> ()
    %iota3A = tpu.iota {dimensions = array<i32: 0>} : vector<16xi32>
    %add3A_3 = arith.constant 0 : i32
    %add3A_4 = arith.addi %mul3A_2, %add3A_3 : i32
    %rem3A = arith.constant 64 : i32
    %rem3A_5 = arith.remsi %add3A_4, %rem3A : i32
    %get3A = arith.constant 0 : index
    %get3A_6 = tpu.vector_load %arg5[%get3A] {strides = array<i32>} : memref<288xi32, #tpu.memory_space<vmem>>, vector<16xi32>,
    %get3A_7 = vector.shape_cast %get3A_6 : vector<16xi32> to vector<16xi32>
    %mul3A_8 = arith.constant 64 : i32
    %mul3A_9 = vector.broadcast %mul3A_8 : i32 to vector<16xi32>
    %mul3A_10 = arith.muli %get3A_7, %mul3A_9 : vector<16xi32>
    %add3A_11 = vector.broadcast %rem3A_5 : i32 to vector<16xi32>
    %add3A_12 = arith.addi %mul3A_10, %add3A_11 : vector<16xi32>
    %add3A_13 = arith.addi %add3A_12, %iota3A : vector<16xi32>
    %swap3A = arith.constant 0 : index
    %swap3A_14 = tpu.vector_load %arg6[%swap3A] {strides = array<i32>} : memref<288xi32, #tpu.memory_space<vmem>>, vector<16xi32>,
    %swap3A_15 = vector.shape_cast %swap3A_14 : vector<16xi32> to vector<16xi32>
    %swap3A_16 = vector.shape_cast %add3A_13 : vector<16xi32> to vector<16xi32>
    tpu.vector_store %arg6[%swap3A], %swap3A_16 {strides = array<i32>} : memref<288xi32, #tpu.memory_space<vmem>>, vector<16xi32>,
    %add3A_17 = arith.constant 16 : i32
    %add3A_18 = arith.addi %mul3A_2, %add3A_17 : i32
    %rem3A_19 = arith.constant 64 : i32
    %rem3A_20 = arith.remsi %add3A_18, %rem3A_19 : i32
    %get3A_21 = arith.constant 16 : index
    %get3A_22 = tpu.vector_load %arg5[%get3A_21] {strides = array<i32>} : memref<288xi32, #tpu.memory_space<vmem>>, vector<16xi32>,
    %get3A_23 = vector.shape_cast %get3A_22 : vector<16xi32> to vector<16xi32>
    %mul3A_24 = arith.constant 64 : i32
    %mul3A_25 = vector.broadcast %mul3A_24 : i32 to vector<16xi32>
    %mul3A_26 = arith.muli %get3A_23, %mul3A_25 : vector<16xi32>
    %add3A_27 = vector.broadcast %rem3A_20 : i32 to vector<16xi32>
    %add3A_28 = arith.addi %mul3A_26, %add3A_27 : vector<16xi32>
    %add3A_29 = arith.addi %add3A_28, %iota3A : vector<16xi32>
    %swap3A_30 = arith.constant 16 : index
    %swap3A_31 = tpu.vector_load %arg6[%swap3A_30] {strides = array<i32>} : memref<288xi32, #tpu.memory_space<vmem>>, vector<16xi32>,
    %swap3A_32 = vector.shape_cast %swap3A_31 : vector<16xi32> to vector<16xi32>
    %swap3A_33 = vector.shape_cast %add3A_29 : vector<16xi32> to vector<16xi32>
    tpu.vector_store %arg6[%swap3A_30], %swap3A_33 {strides = array<i32>} : memref<288xi32, #tpu.memory_space<vmem>>, vector<16xi32>,
    %add3A_34 = arith.constant 32 : i32
    %add3A_35 = arith.addi %mul3A_2, %add3A_34 : i32
    %rem3A_36 = arith.constant 64 : i32
    %rem3A_37 = arith.remsi %add3A_35, %rem3A_36 : i32
    %get3A_38 = arith.constant 32 : index
    %get3A_39 = tpu.vector_load %arg5[%get3A_38] {strides = array<i32>} : memref<288xi32, #tpu.memory_space<vmem>>, vector<16xi32>,
    %get3A_40 = vector.shape_cast %get3A_39 : vector<16xi32> to vector<16xi32>
    %mul3A_41 = arith.constant 64 : i32
    %mul3A_42 = vector.broadcast %mul3A_41 : i32 to vector<16xi32>
    %mul3A_43 = arith.muli %get3A_40, %mul3A_42 : vector<16xi32>
    %add3A_44 = vector.broadcast %rem3A_37 : i32 to vector<16xi32>
    %add3A_45 = arith.addi %mul3A_43, %add3A_44 : vector<16xi32>
    %add3A_46 = arith.addi %add3A_45, %iota3A : vector<16xi32>
    %swap3A_47 = arith.constant 32 : index
    %swap3A_48 = tpu.vector_load %arg6[%swap3A_47] {strides = array<i32>} : memref<288xi32, #tpu.memory_space<vmem>>, vector<16xi32>,
    %swap3A_49 = vector.shape_cast %swap3A_48 : vector<16xi32> to vector<16xi32>
    %swap3A_50 = vector.shape_cast %add3A_46 : vector<16xi32> to vector<16xi32>
    tpu.vector_store %arg6[%swap3A_47], %swap3A_50 {strides = array<i32>} : memref<288xi32, #tpu.memory_space<vmem>>, vector<16xi32>,
    %add3A_51 = arith.constant 48 : i32
    %add3A_52 = arith.addi %mul3A_2, %add3A_51 : i32
    %rem3A_53 = arith.constant 64 : i32
    %rem3A_54 = arith.remsi %add3A_52, %rem3A_53 : i32
    %get3A_55 = arith.constant 48 : index
    %get3A_56 = tpu.vector_load %arg5[%get3A_55] {strides = array<i32>} : memref<288xi32, #tpu.memory_space<vmem>>, vector<16xi32>,
    %get3A_57 = vector.shape_cast %get3A_56 : vector<16xi32> to vector<16xi32>
    %mul3A_58 = arith.constant 64 : i32
    %mul3A_59 = vector.broadcast %mul3A_58 : i32 to vector<16xi32>
    %mul3A_60 = arith.muli %get3A_57, %mul3A_59 : vector<16xi32>
    %add3A_61 = vector.broadcast %rem3A_54 : i32 to vector<16xi32>
    %add3A_62 = arith.addi %mul3A_60, %add3A_61 : vector<16xi32>
    %add3A_63 = arith.addi %add3A_62, %iota3A : vector<16xi32>
    %swap3A_64 = arith.constant 48 : index
    %swap3A_65 = tpu.vector_load %arg6[%swap3A_64] {strides = array<i32>} : memref<288xi32, #tpu.memory_space<vmem>>, vector<16xi32>,
    %swap3A_66 = vector.shape_cast %swap3A_65 : vector<16xi32> to vector<16xi32>
    %swap3A_67 = vector.shape_cast %add3A_63 : vector<16xi32> to vector<16xi32>
    tpu.vector_store %arg6[%swap3A_64], %swap3A_67 {strides = array<i32>} : memref<288xi32, #tpu.memory_space<vmem>>, vector<16xi32>,
    %add3A_68 = arith.constant 64 : i32
    %add3A_69 = arith.addi %mul3A_2, %add3A_68 : i32
    %rem3A_70 = arith.constant 64 : i32
    %rem3A_71 = arith.remsi %add3A_69, %rem3A_70 : i32
    %get3A_72 = arith.constant 64 : index
    %get3A_73 = tpu.vector_load %arg5[%get3A_72] {strides = array<i32>} : memref<288xi32, #tpu.memory_space<vmem>>, vector<16xi32>,
    %get3A_74 = vector.shape_cast %get3A_73 : vector<16xi32> to vector<16xi32>
    %mul3A_75 = arith.constant 64 : i32
    %mul3A_76 = vector.broadcast %mul3A_75 : i32 to vector<16xi32>
    %mul3A_77 = arith.muli %get3A_74, %mul3A_76 : vector<16xi32>
    %add3A_78 = vector.broadcast %rem3A_71 : i32 to vector<16xi32>
    %add3A_79 = arith.addi %mul3A_77, %add3A_78 : vector<16xi32>
    %add3A_80 = arith.addi %add3A_79, %iota3A : vector<16xi32>
    %swap3A_81 = arith.constant 64 : index
    %swap3A_82 = tpu.vector_load %arg6[%swap3A_81] {strides = array<i32>} : memref<288xi32, #tpu.memory_space<vmem>>, vector<16xi32>,
    %swap3A_83 = vector.shape_cast %swap3A_82 : vector<16xi32> to vector<16xi32>
    %swap3A_84 = vector.shape_cast %add3A_80 : vector<16xi32> to vector<16xi32>
    tpu.vector_store %arg6[%swap3A_81], %swap3A_84 {strides = array<i32>} : memref<288xi32, #tpu.memory_space<vmem>>, vector<16xi32>,
    %add3A_85 = arith.constant 80 : i32
    %add3A_86 = arith.addi %mul3A_2, %add3A_85 : i32
    %rem3A_87 = arith.constant 64 : i32
    %rem3A_88 = arith.remsi %add3A_86, %rem3A_87 : i32
    %get3A_89 = arith.constant 80 : index
    %get3A_90 = tpu.vector_load %arg5[%get3A_89] {strides = array<i32>} : memref<288xi32, #tpu.memory_space<vmem>>, vector<16xi32>,
    %get3A_91 = vector.shape_cast %get3A_90 : vector<16xi32> to vector<16xi32>
    %mul3A_92 = arith.constant 64 : i32
    %mul3A_93 = vector.broadcast %mul3A_92 : i32 to vector<16xi32>
    %mul3A_94 = arith.muli %get3A_91, %mul3A_93 : vector<16xi32>
    %add3A_95 = vector.broadcast %rem3A_88 : i32 to vector<16xi32>
    %add3A_96 = arith.addi %mul3A_94, %add3A_95 : vector<16xi32>
    %add3A_97 = arith.addi %add3A_96, %iota3A : vector<16xi32>
    %swap3A_98 = arith.constant 80 : index
    %swap3A_99 = tpu.vector_load %arg6[%swap3A_98] {strides = array<i32>} : memref<288xi32, #tpu.memory_space<vmem>>, vector<16xi32>,
    %swap3A_100 = vector.shape_cast %swap3A_99 : vector<16xi32> to vector<16xi32>
    %swap3A_101 = vector.shape_cast %add3A_97 : vector<16xi32> to vector<16xi32>
    tpu.vector_store %arg6[%swap3A_98], %swap3A_101 {strides = array<i32>} : memref<288xi32, #tpu.memory_space<vmem>>, vector<16xi32>,
    %add3A_102 = arith.constant 96 : i32
    %add3A_103 = arith.addi %mul3A_2, %add3A_102 : i32
    %rem3A_104 = arith.constant 64 : i32
    %rem3A_105 = arith.remsi %add3A_103, %rem3A_104 : i32
    %get3A_106 = arith.constant 96 : index
    %get3A_107 = tpu.vector_load %arg5[%get3A_106] {strides = array<i32>} : memref<288xi32, #tpu.memory_space<vmem>>, vector<16xi32>,
    %get3A_108 = vector.shape_cast %get3A_107 : vector<16xi32> to vector<16xi32>
    %mul3A_109 = arith.constant 64 : i32
    %mul3A_110 = vector.broadcast %mul3A_109 : i32 to vector<16xi32>
    %mul3A_111 = arith.muli %get3A_108, %mul3A_110 : vector<16xi32>
    %add3A_112 = vector.broadcast %rem3A_105 : i32 to vector<16xi32>
    %add3A_113 = arith.addi %mul3A_111, %add3A_112 : vector<16xi32>
    %add3A_114 = arith.addi %add3A_113, %iota3A : vector<16xi32>
    %swap3A_115 = arith.constant 96 : index
    %swap3A_116 = tpu.vector_load %arg6[%swap3A_115] {strides = array<i32>} : memref<288xi32, #tpu.memory_space<vmem>>, vector<16xi32>,
    %swap3A_117 = vector.shape_cast %swap3A_116 : vector<16xi32> to vector<16xi32>
    %swap3A_118 = vector.shape_cast %add3A_114 : vector<16xi32> to vector<16xi32>
    tpu.vector_store %arg6[%swap3A_115], %swap3A_118 {strides = array<i32>} : memref<288xi32, #tpu.memory_space<vmem>>, vector<16xi32>,
    %add3A_119 = arith.constant 112 : i32
    %add3A_120 = arith.addi %mul3A_2, %add3A_119 : i32
    %rem3A_121 = arith.constant 64 : i32
    %rem3A_122 = arith.remsi %add3A_120, %rem3A_121 : i32
    %get3A_123 = arith.constant 112 : index
    %get3A_124 = tpu.vector_load %arg5[%get3A_123] {strides = array<i32>} : memref<288xi32, #tpu.memory_space<vmem>>, vector<16xi32>,
    %get3A_125 = vector.shape_cast %get3A_124 : vector<16xi32> to vector<16xi32>
    %mul3A_126 = arith.constant 64 : i32
    %mul3A_127 = vector.broadcast %mul3A_126 : i32 to vector<16xi32>
    %mul3A_128 = arith.muli %get3A_125, %mul3A_127 : vector<16xi32>
    %add3A_129 = vector.broadcast %rem3A_122 : i32 to vector<16xi32>
    %add3A_130 = arith.addi %mul3A_128, %add3A_129 : vector<16xi32>
    %add3A_131 = arith.addi %add3A_130, %iota3A : vector<16xi32>
    %swap3A_132 = arith.constant 112 : index
    %swap3A_133 = tpu.vector_load %arg6[%swap3A_132] {strides = array<i32>} : memref<288xi32, #tpu.memory_space<vmem>>, vector<16xi32>,
    %swap3A_134 = vector.shape_cast %swap3A_133 : vector<16xi32> to vector<16xi32>
    %swap3A_135 = vector.shape_cast %add3A_131 : vector<16xi32> to vector<16xi32>
    tpu.vector_store %arg6[%swap3A_132], %swap3A_135 {strides = array<i32>} : memref<288xi32, #tpu.memory_space<vmem>>, vector<16xi32>,
    %add3A_136 = arith.constant 128 : i32
    %add3A_137 = arith.addi %mul3A_2, %add3A_136 : i32
    %rem3A_138 = arith.constant 64 : i32
    %rem3A_139 = arith.remsi %add3A_137, %rem3A_138 : i32
    %get3A_140 = arith.constant 128 : index
    %get3A_141 = tpu.vector_load %arg5[%get3A_140] {strides = array<i32>} : memref<288xi32, #tpu.memory_space<vmem>>, vector<16xi32>,
    %get3A_142 = vector.shape_cast %get3A_141 : vector<16xi32> to vector<16xi32>
    %mul3A_143 = arith.constant 64 : i32
    %mul3A_144 = vector.broadcast %mul3A_143 : i32 to vector<16xi32>
    %mul3A_145 = arith.muli %get3A_142, %mul3A_144 : vector<16xi32>
    %add3A_146 = vector.broadcast %rem3A_139 : i32 to vector<16xi32>
    %add3A_147 = arith.addi %mul3A_145, %add3A_146 : vector<16xi32>
    %add3A_148 = arith.addi %add3A_147, %iota3A : vector<16xi32>
    %swap3A_149 = arith.constant 128 : index
    %swap3A_150 = tpu.vector_load %arg6[%swap3A_149] {strides = array<i32>} : memref<288xi32, #tpu.memory_space<vmem>>, vector<16xi32>,
    %swap3A_151 = vector.shape_cast %swap3A_150 : vector<16xi32> to vector<16xi32>
    %swap3A_152 = vector.shape_cast %add3A_148 : vector<16xi32> to vector<16xi32>
    tpu.vector_store %arg6[%swap3A_149], %swap3A_152 {strides = array<i32>} : memref<288xi32, #tpu.memory_space<vmem>>, vector<16xi32>,
    %add3A_153 = arith.constant 144 : i32
    %add3A_154 = arith.addi %mul3A_2, %add3A_153 : i32
    %rem3A_155 = arith.constant 64 : i32
    %rem3A_156 = arith.remsi %add3A_154, %rem3A_155 : i32
    %get3A_157 = arith.constant 144 : index
    %get3A_158 = tpu.vector_load %arg5[%get3A_157] {strides = array<i32>} : memref<288xi32, #tpu.memory_space<vmem>>, vector<16xi32>,
    %get3A_159 = vector.shape_cast %get3A_158 : vector<16xi32> to vector<16xi32>
    %mul3A_160 = arith.constant 64 : i32
    %mul3A_161 = vector.broadcast %mul3A_160 : i32 to vector<16xi32>
    %mul3A_162 = arith.muli %get3A_159, %mul3A_161 : vector<16xi32>
    %add3A_163 = vector.broadcast %rem3A_156 : i32 to vector<16xi32>
    %add3A_164 = arith.addi %mul3A_162, %add3A_163 : vector<16xi32>
    %add3A_165 = arith.addi %add3A_164, %iota3A : vector<16xi32>
    %swap3A_166 = arith.constant 144 : index
    %swap3A_167 = tpu.vector_load %arg6[%swap3A_166] {strides = array<i32>} : memref<288xi32, #tpu.memory_space<vmem>>, vector<16xi32>,
    %swap3A_168 = vector.shape_cast %swap3A_167 : vector<16xi32> to vector<16xi32>
    %swap3A_169 = vector.shape_cast %add3A_165 : vector<16xi32> to vector<16xi32>
    tpu.vector_store %arg6[%swap3A_166], %swap3A_169 {strides = array<i32>} : memref<288xi32, #tpu.memory_space<vmem>>, vector<16xi32>,
    %add3A_170 = arith.constant 160 : i32
    %add3A_171 = arith.addi %mul3A_2, %add3A_170 : i32
    %rem3A_172 = arith.constant 64 : i32
    %rem3A_173 = arith.remsi %add3A_171, %rem3A_172 : i32
    %get3A_174 = arith.constant 160 : index
    %get3A_175 = tpu.vector_load %arg5[%get3A_174] {strides = array<i32>} : memref<288xi32, #tpu.memory_space<vmem>>, vector<16xi32>,
    %get3A_176 = vector.shape_cast %get3A_175 : vector<16xi32> to vector<16xi32>
    %mul3A_177 = arith.constant 64 : i32
    %mul3A_178 = vector.broadcast %mul3A_177 : i32 to vector<16xi32>
    %mul3A_179 = arith.muli %get3A_176, %mul3A_178 : vector<16xi32>
    %add3A_180 = vector.broadcast %rem3A_173 : i32 to vector<16xi32>
    %add3A_181 = arith.addi %mul3A_179, %add3A_180 : vector<16xi32>
    %add3A_182 = arith.addi %add3A_181, %iota3A : vector<16xi32>
    %swap3A_183 = arith.constant 160 : index
    %swap3A_184 = tpu.vector_load %arg6[%swap3A_183] {strides = array<i32>} : memref<288xi32, #tpu.memory_space<vmem>>, vector<16xi32>,
    %swap3A_185 = vector.shape_cast %swap3A_184 : vector<16xi32> to vector<16xi32>
    %swap3A_186 = vector.shape_cast %add3A_182 : vector<16xi32> to vector<16xi32>
    tpu.vector_store %arg6[%swap3A_183], %swap3A_186 {strides = array<i32>} : memref<288xi32, #tpu.memory_space<vmem>>, vector<16xi32>,
    %add3A_187 = arith.constant 176 : i32
    %add3A_188 = arith.addi %mul3A_2, %add3A_187 : i32
    %rem3A_189 = arith.constant 64 : i32
    %rem3A_190 = arith.remsi %add3A_188, %rem3A_189 : i32
    %get3A_191 = arith.constant 176 : index
    %get3A_192 = tpu.vector_load %arg5[%get3A_191] {strides = array<i32>} : memref<288xi32, #tpu.memory_space<vmem>>, vector<16xi32>,
    %get3A_193 = vector.shape_cast %get3A_192 : vector<16xi32> to vector<16xi32>
    %mul3A_194 = arith.constant 64 : i32
    %mul3A_195 = vector.broadcast %mul3A_194 : i32 to vector<16xi32>
    %mul3A_196 = arith.muli %get3A_193, %mul3A_195 : vector<16xi32>
    %add3A_197 = vector.broadcast %rem3A_190 : i32 to vector<16xi32>
    %add3A_198 = arith.addi %mul3A_196, %add3A_197 : vector<16xi32>
    %add3A_199 = arith.addi %add3A_198, %iota3A : vector<16xi32>
    %swap3A_200 = arith.constant 176 : index
    %swap3A_201 = tpu.vector_load %arg6[%swap3A_200] {strides = array<i32>} : memref<288xi32, #tpu.memory_space<vmem>>, vector<16xi32>,
    %swap3A_202 = vector.shape_cast %swap3A_201 : vector<16xi32> to vector<16xi32>
    %swap3A_203 = vector.shape_cast %add3A_199 : vector<16xi32> to vector<16xi32>
    tpu.vector_store %arg6[%swap3A_200], %swap3A_203 {strides = array<i32>} : memref<288xi32, #tpu.memory_space<vmem>>, vector<16xi32>,
    %add3A_204 = arith.constant 192 : i32
    %add3A_205 = arith.addi %mul3A_2, %add3A_204 : i32
    %rem3A_206 = arith.constant 64 : i32
    %rem3A_207 = arith.remsi %add3A_205, %rem3A_206 : i32
    %get3A_208 = arith.constant 192 : index
    %get3A_209 = tpu.vector_load %arg5[%get3A_208] {strides = array<i32>} : memref<288xi32, #tpu.memory_space<vmem>>, vector<16xi32>,
    %get3A_210 = vector.shape_cast %get3A_209 : vector<16xi32> to vector<16xi32>
    %mul3A_211 = arith.constant 64 : i32
    %mul3A_212 = vector.broadcast %mul3A_211 : i32 to vector<16xi32>
    %mul3A_213 = arith.muli %get3A_210, %mul3A_212 : vector<16xi32>
    %add3A_214 = vector.broadcast %rem3A_207 : i32 to vector<16xi32>
    %add3A_215 = arith.addi %mul3A_213, %add3A_214 : vector<16xi32>
    %add3A_216 = arith.addi %add3A_215, %iota3A : vector<16xi32>
    %swap3A_217 = arith.constant 192 : index
    %swap3A_218 = tpu.vector_load %arg6[%swap3A_217] {strides = array<i32>} : memref<288xi32, #tpu.memory_space<vmem>>, vector<16xi32>,
    %swap3A_219 = vector.shape_cast %swap3A_218 : vector<16xi32> to vector<16xi32>
    %swap3A_220 = vector.shape_cast %add3A_216 : vector<16xi32> to vector<16xi32>
    tpu.vector_store %arg6[%swap3A_217], %swap3A_220 {strides = array<i32>} : memref<288xi32, #tpu.memory_space<vmem>>, vector<16xi32>,
    %add3A_221 = arith.constant 208 : i32
    %add3A_222 = arith.addi %mul3A_2, %add3A_221 : i32
    %rem3A_223 = arith.constant 64 : i32
    %rem3A_224 = arith.remsi %add3A_222, %rem3A_223 : i32
    %get3A_225 = arith.constant 208 : index
    %get3A_226 = tpu.vector_load %arg5[%get3A_225] {strides = array<i32>} : memref<288xi32, #tpu.memory_space<vmem>>, vector<16xi32>,
    %get3A_227 = vector.shape_cast %get3A_226 : vector<16xi32> to vector<16xi32>
    %mul3A_228 = arith.constant 64 : i32
    %mul3A_229 = vector.broadcast %mul3A_228 : i32 to vector<16xi32>
    %mul3A_230 = arith.muli %get3A_227, %mul3A_229 : vector<16xi32>
    %add3A_231 = vector.broadcast %rem3A_224 : i32 to vector<16xi32>
    %add3A_232 = arith.addi %mul3A_230, %add3A_231 : vector<16xi32>
    %add3A_233 = arith.addi %add3A_232, %iota3A : vector<16xi32>
    %swap3A_234 = arith.constant 208 : index
    %swap3A_235 = tpu.vector_load %arg6[%swap3A_234] {strides = array<i32>} : memref<288xi32, #tpu.memory_space<vmem>>, vector<16xi32>,
    %swap3A_236 = vector.shape_cast %swap3A_235 : vector<16xi32> to vector<16xi32>
    %swap3A_237 = vector.shape_cast %add3A_233 : vector<16xi32> to vector<16xi32>
    tpu.vector_store %arg6[%swap3A_234], %swap3A_237 {strides = array<i32>} : memref<288xi32, #tpu.memory_space<vmem>>, vector<16xi32>,
    %add3A_238 = arith.constant 224 : i32
    %add3A_239 = arith.addi %mul3A_2, %add3A_238 : i32
    %rem3A_240 = arith.constant 64 : i32
    %rem3A_241 = arith.remsi %add3A_239, %rem3A_240 : i32
    %get3A_242 = arith.constant 224 : index
    %get3A_243 = tpu.vector_load %arg5[%get3A_242] {strides = array<i32>} : memref<288xi32, #tpu.memory_space<vmem>>, vector<16xi32>,
    %get3A_244 = vector.shape_cast %get3A_243 : vector<16xi32> to vector<16xi32>
    %mul3A_245 = arith.constant 64 : i32
    %mul3A_246 = vector.broadcast %mul3A_245 : i32 to vector<16xi32>
    %mul3A_247 = arith.muli %get3A_244, %mul3A_246 : vector<16xi32>
    %add3A_248 = vector.broadcast %rem3A_241 : i32 to vector<16xi32>
    %add3A_249 = arith.addi %mul3A_247, %add3A_248 : vector<16xi32>
    %add3A_250 = arith.addi %add3A_249, %iota3A : vector<16xi32>
    %swap3A_251 = arith.constant 224 : index
    %swap3A_252 = tpu.vector_load %arg6[%swap3A_251] {strides = array<i32>} : memref<288xi32, #tpu.memory_space<vmem>>, vector<16xi32>,
    %swap3A_253 = vector.shape_cast %swap3A_252 : vector<16xi32> to vector<16xi32>
    %swap3A_254 = vector.shape_cast %add3A_250 : vector<16xi32> to vector<16xi32>
    tpu.vector_store %arg6[%swap3A_251], %swap3A_254 {strides = array<i32>} : memref<288xi32, #tpu.memory_space<vmem>>, vector<16xi32>,
    %add3A_255 = arith.constant 240 : i32
    %add3A_256 = arith.addi %mul3A_2, %add3A_255 : i32
    %rem3A_257 = arith.constant 64 : i32
    %rem3A_258 = arith.remsi %add3A_256, %rem3A_257 : i32
    %get3A_259 = arith.constant 240 : index
    %get3A_260 = tpu.vector_load %arg5[%get3A_259] {strides = array<i32>} : memref<288xi32, #tpu.memory_space<vmem>>, vector<16xi32>,
    %get3A_261 = vector.shape_cast %get3A_260 : vector<16xi32> to vector<16xi32>
    %mul3A_262 = arith.constant 64 : i32
    %mul3A_263 = vector.broadcast %mul3A_262 : i32 to vector<16xi32>
    %mul3A_264 = arith.muli %get3A_261, %mul3A_263 : vector<16xi32>
    %add3A_265 = vector.broadcast %rem3A_258 : i32 to vector<16xi32>
    %add3A_266 = arith.addi %mul3A_264, %add3A_265 : vector<16xi32>
    %add3A_267 = arith.addi %add3A_266, %iota3A : vector<16xi32>
    %swap3A_268 = arith.constant 240 : index
    %swap3A_269 = tpu.vector_load %arg6[%swap3A_268] {strides = array<i32>} : memref<288xi32, #tpu.memory_space<vmem>>, vector<16xi32>,
    %swap3A_270 = vector.shape_cast %swap3A_269 : vector<16xi32> to vector<16xi32>
    %swap3A_271 = vector.shape_cast %add3A_267 : vector<16xi32> to vector<16xi32>
    tpu.vector_store %arg6[%swap3A_268], %swap3A_271 {strides = array<i32>} : memref<288xi32, #tpu.memory_space<vmem>>, vector<16xi32>,
    %add3A_272 = arith.constant 256 : i32
    %add3A_273 = arith.addi %mul3A_2, %add3A_272 : i32
    %rem3A_274 = arith.constant 64 : i32
    %rem3A_275 = arith.remsi %add3A_273, %rem3A_274 : i32
    %get3A_276 = arith.constant 256 : index
    %get3A_277 = tpu.vector_load %arg5[%get3A_276] {strides = array<i32>} : memref<288xi32, #tpu.memory_space<vmem>>, vector<16xi32>,
    %get3A_278 = vector.shape_cast %get3A_277 : vector<16xi32> to vector<16xi32>
    %mul3A_279 = arith.constant 64 : i32
    %mul3A_280 = vector.broadcast %mul3A_279 : i32 to vector<16xi32>
    %mul3A_281 = arith.muli %get3A_278, %mul3A_280 : vector<16xi32>
    %add3A_282 = vector.broadcast %rem3A_275 : i32 to vector<16xi32>
    %add3A_283 = arith.addi %mul3A_281, %add3A_282 : vector<16xi32>
    %add3A_284 = arith.addi %add3A_283, %iota3A : vector<16xi32>
    %swap3A_285 = arith.constant 256 : index
    %swap3A_286 = tpu.vector_load %arg6[%swap3A_285] {strides = array<i32>} : memref<288xi32, #tpu.memory_space<vmem>>, vector<16xi32>,
    %swap3A_287 = vector.shape_cast %swap3A_286 : vector<16xi32> to vector<16xi32>
    %swap3A_288 = vector.shape_cast %add3A_284 : vector<16xi32> to vector<16xi32>
    tpu.vector_store %arg6[%swap3A_285], %swap3A_288 {strides = array<i32>} : memref<288xi32, #tpu.memory_space<vmem>>, vector<16xi32>,
    %add3A_289 = arith.constant 272 : i32
    %add3A_290 = arith.addi %mul3A_2, %add3A_289 : i32
    %rem3A_291 = arith.constant 64 : i32
    %rem3A_292 = arith.remsi %add3A_290, %rem3A_291 : i32
    %get3A_293 = arith.constant 272 : index
    %get3A_294 = tpu.vector_load %arg5[%get3A_293] {strides = array<i32>} : memref<288xi32, #tpu.memory_space<vmem>>, vector<16xi32>,
    %get3A_295 = vector.shape_cast %get3A_294 : vector<16xi32> to vector<16xi32>
    %mul3A_296 = arith.constant 64 : i32
    %mul3A_297 = vector.broadcast %mul3A_296 : i32 to vector<16xi32>
    %mul3A_298 = arith.muli %get3A_295, %mul3A_297 : vector<16xi32>
    %add3A_299 = vector.broadcast %rem3A_292 : i32 to vector<16xi32>
    %add3A_300 = arith.addi %mul3A_298, %add3A_299 : vector<16xi32>
    %add3A_301 = arith.addi %add3A_300, %iota3A : vector<16xi32>
    %swap3A_302 = arith.constant 272 : index
    %swap3A_303 = tpu.vector_load %arg6[%swap3A_302] {strides = array<i32>} : memref<288xi32, #tpu.memory_space<vmem>>, vector<16xi32>,
    %swap3A_304 = vector.shape_cast %swap3A_303 : vector<16xi32> to vector<16xi32>
    %swap3A_305 = vector.shape_cast %add3A_301 : vector<16xi32> to vector<16xi32>
    tpu.vector_store %arg6[%swap3A_302], %swap3A_305 {strides = array<i32>} : memref<288xi32, #tpu.memory_space<vmem>>, vector<16xi32>,
    %dma_start3A = arith.constant 0 : i32
    %dma_start3A_306 = tpu.memref_slice %arg6[%dma_start3A] : memref<288xi32, #tpu.memory_space<vmem>> -> memref<32xi32, #tpu.memory_space<vmem>>
    %dma_start3A_307 = arith.constant 0 : i32
    %dma_start3A_308 = arith.constant 0 : i32
    %dma_start3A_309 = tpu.memref_slice %arg3[%dma_start3A_307, %dma_start3A_308] : memref<36864x768xf32, #tpu.memory_space<hbm>> -> memref<36864x768xf32, #tpu.memory_space<hbm>>
    tpu.enqueue_indirect_dma source(%dma_start3A_309 : memref<36864x768xf32, #tpu.memory_space<hbm>>) target(%arg7 : memref<32x768xf32, #tpu.memory_space<vmem>>) offsets(%dma_start3A_306 : memref<32xi32, #tpu.memory_space<vmem>>) semaphore(%arg11 : memref<!tpu.dma_semaphore, #tpu.memory_space<semaphore_mem>>)
    %dma_start3A_310 = arith.constant 32 : i32
    %dma_start3A_311 = tpu.memref_slice %arg6[%dma_start3A_310] : memref<288xi32, #tpu.memory_space<vmem>> -> memref<32xi32, #tpu.memory_space<vmem>>
    %dma_start3A_312 = arith.constant 0 : i32
    %dma_start3A_313 = arith.constant 0 : i32
    %dma_start3A_314 = tpu.memref_slice %arg3[%dma_start3A_312, %dma_start3A_313] : memref<36864x768xf32, #tpu.memory_space<hbm>> -> memref<36864x768xf32, #tpu.memory_space<hbm>>
    tpu.enqueue_indirect_dma source(%dma_start3A_314 : memref<36864x768xf32, #tpu.memory_space<hbm>>) target(%arg8 : memref<32x768xf32, #tpu.memory_space<vmem>>) offsets(%dma_start3A_311 : memref<32xi32, #tpu.memory_space<vmem>>) semaphore(%arg12 : memref<!tpu.dma_semaphore, #tpu.memory_space<semaphore_mem>>)
    %dma_wait3A = arith.constant 0 : i32
    %dma_wait3A_315 = tpu.memref_slice %arg6[%dma_wait3A] : memref<288xi32, #tpu.memory_space<vmem>> -> memref<32xi32, #tpu.memory_space<vmem>>
    %dma_wait3A_316 = arith.constant 0 : i32
    %dma_wait3A_317 = arith.constant 0 : i32
    %dma_wait3A_318 = tpu.memref_slice %arg3[%dma_wait3A_316, %dma_wait3A_317] : memref<36864x768xf32, #tpu.memory_space<hbm>> -> memref<36864x768xf32, #tpu.memory_space<hbm>>
    tpu.wait_indirect_dma semaphore(%arg11 : memref<!tpu.dma_semaphore, #tpu.memory_space<semaphore_mem>>) src(%dma_wait3A_318 : memref<36864x768xf32, #tpu.memory_space<hbm>>) dst(%arg7 : memref<32x768xf32, #tpu.memory_space<vmem>>)
    %add3A_319 = arith.constant 0 : i32
    %add3A_320 = arith.addi %mul3A_2, %add3A_319 : i32
    %dma_start3A_321 = arith.constant 0 : i32
    %dma_start3A_322 = tpu.memref_slice %arg4[%add3A_320, %dma_start3A_321] : memref<9216x768xf32, #tpu.memory_space<hbm>> -> memref<32x768xf32, #tpu.memory_space<hbm>>
    %dma_start3A_323 = arith.constant 0 : i32
    %dma_start3A_324 = tpu.memref_slice %arg4[%add3A_320, %dma_start3A_323] : memref<9216x768xf32, #tpu.memory_space<hbm>> -> memref<32x768xf32, #tpu.memory_space<hbm>>
    tpu.enqueue_dma source(%arg7 : memref<32x768xf32, #tpu.memory_space<vmem>>) target(%dma_start3A_324 : memref<32x768xf32, #tpu.memory_space<hbm>>) target_semaphore(%arg15 : memref<!tpu.dma_semaphore, #tpu.memory_space<semaphore_mem>>)
    %dma_start3A_325 = arith.constant 64 : i32
    %dma_start3A_326 = tpu.memref_slice %arg6[%dma_start3A_325] : memref<288xi32, #tpu.memory_space<vmem>> -> memref<32xi32, #tpu.memory_space<vmem>>
    %dma_start3A_327 = arith.constant 0 : i32
    %dma_start3A_328 = arith.constant 0 : i32
    %dma_start3A_329 = tpu.memref_slice %arg3[%dma_start3A_327, %dma_start3A_328] : memref<36864x768xf32, #tpu.memory_space<hbm>> -> memref<36864x768xf32, #tpu.memory_space<hbm>>
    tpu.enqueue_indirect_dma source(%dma_start3A_329 : memref<36864x768xf32, #tpu.memory_space<hbm>>) target(%arg9 : memref<32x768xf32, #tpu.memory_space<vmem>>) offsets(%dma_start3A_326 : memref<32xi32, #tpu.memory_space<vmem>>) semaphore(%arg13 : memref<!tpu.dma_semaphore, #tpu.memory_space<semaphore_mem>>)
    %dma_wait3A_330 = arith.constant 32 : i32
    %dma_wait3A_331 = tpu.memref_slice %arg6[%dma_wait3A_330] : memref<288xi32, #tpu.memory_space<vmem>> -> memref<32xi32, #tpu.memory_space<vmem>>
    %dma_wait3A_332 = arith.constant 0 : i32
    %dma_wait3A_333 = arith.constant 0 : i32
    %dma_wait3A_334 = tpu.memref_slice %arg3[%dma_wait3A_332, %dma_wait3A_333] : memref<36864x768xf32, #tpu.memory_space<hbm>> -> memref<36864x768xf32, #tpu.memory_space<hbm>>
    tpu.wait_indirect_dma semaphore(%arg12 : memref<!tpu.dma_semaphore, #tpu.memory_space<semaphore_mem>>) src(%dma_wait3A_334 : memref<36864x768xf32, #tpu.memory_space<hbm>>) dst(%arg8 : memref<32x768xf32, #tpu.memory_space<vmem>>)
    %add3A_335 = arith.constant 32 : i32
    %add3A_336 = arith.addi %mul3A_2, %add3A_335 : i32
    %dma_start3A_337 = arith.constant 0 : i32
    %dma_start3A_338 = tpu.memref_slice %arg4[%add3A_336, %dma_start3A_337] : memref<9216x768xf32, #tpu.memory_space<hbm>> -> memref<32x768xf32, #tpu.memory_space<hbm>>
    %dma_start3A_339 = arith.constant 0 : i32
    %dma_start3A_340 = tpu.memref_slice %arg4[%add3A_336, %dma_start3A_339] : memref<9216x768xf32, #tpu.memory_space<hbm>> -> memref<32x768xf32, #tpu.memory_space<hbm>>
    tpu.enqueue_dma source(%arg8 : memref<32x768xf32, #tpu.memory_space<vmem>>) target(%dma_start3A_340 : memref<32x768xf32, #tpu.memory_space<hbm>>) target_semaphore(%arg16 : memref<!tpu.dma_semaphore, #tpu.memory_space<semaphore_mem>>)
    %dma_start3A_341 = arith.constant 96 : i32
    %dma_start3A_342 = tpu.memref_slice %arg6[%dma_start3A_341] : memref<288xi32, #tpu.memory_space<vmem>> -> memref<32xi32, #tpu.memory_space<vmem>>
    %dma_start3A_343 = arith.constant 0 : i32
    %dma_start3A_344 = arith.constant 0 : i32
    %dma_start3A_345 = tpu.memref_slice %arg3[%dma_start3A_343, %dma_start3A_344] : memref<36864x768xf32, #tpu.memory_space<hbm>> -> memref<36864x768xf32, #tpu.memory_space<hbm>>
    tpu.enqueue_indirect_dma source(%dma_start3A_345 : memref<36864x768xf32, #tpu.memory_space<hbm>>) target(%arg10 : memref<32x768xf32, #tpu.memory_space<vmem>>) offsets(%dma_start3A_342 : memref<32xi32, #tpu.memory_space<vmem>>) semaphore(%arg14 : memref<!tpu.dma_semaphore, #tpu.memory_space<semaphore_mem>>)
    %dma_wait3A_346 = arith.constant 64 : i32
    %dma_wait3A_347 = tpu.memref_slice %arg6[%dma_wait3A_346] : memref<288xi32, #tpu.memory_space<vmem>> -> memref<32xi32, #tpu.memory_space<vmem>>
    %dma_wait3A_348 = arith.constant 0 : i32
    %dma_wait3A_349 = arith.constant 0 : i32
    %dma_wait3A_350 = tpu.memref_slice %arg3[%dma_wait3A_348, %dma_wait3A_349] : memref<36864x768xf32, #tpu.memory_space<hbm>> -> memref<36864x768xf32, #tpu.memory_space<hbm>>
    tpu.wait_indirect_dma semaphore(%arg13 : memref<!tpu.dma_semaphore, #tpu.memory_space<semaphore_mem>>) src(%dma_wait3A_350 : memref<36864x768xf32, #tpu.memory_space<hbm>>) dst(%arg9 : memref<32x768xf32, #tpu.memory_space<vmem>>)
    %add3A_351 = arith.constant 64 : i32
    %add3A_352 = arith.addi %mul3A_2, %add3A_351 : i32
    %dma_start3A_353 = arith.constant 0 : i32
    %dma_start3A_354 = tpu.memref_slice %arg4[%add3A_352, %dma_start3A_353] : memref<9216x768xf32, #tpu.memory_space<hbm>> -> memref<32x768xf32, #tpu.memory_space<hbm>>
    %dma_start3A_355 = arith.constant 0 : i32
    %dma_start3A_356 = tpu.memref_slice %arg4[%add3A_352, %dma_start3A_355] : memref<9216x768xf32, #tpu.memory_space<hbm>> -> memref<32x768xf32, #tpu.memory_space<hbm>>
    tpu.enqueue_dma source(%arg9 : memref<32x768xf32, #tpu.memory_space<vmem>>) target(%dma_start3A_356 : memref<32x768xf32, #tpu.memory_space<hbm>>) target_semaphore(%arg17 : memref<!tpu.dma_semaphore, #tpu.memory_space<semaphore_mem>>)
    %dma_wait3A_357 = arith.constant 0 : i32
    %dma_wait3A_358 = tpu.memref_slice %arg4[%add3A_320, %dma_wait3A_357] : memref<9216x768xf32, #tpu.memory_space<hbm>> -> memref<32x768xf32, #tpu.memory_space<hbm>>
    %dma_wait3A_359 = arith.constant 0 : i32
    %dma_wait3A_360 = tpu.memref_slice %arg4[%add3A_320, %dma_wait3A_359] : memref<9216x768xf32, #tpu.memory_space<hbm>> -> memref<32x768xf32, #tpu.memory_space<hbm>>
    tpu.wait_dma2 semaphore(%arg15 : memref<!tpu.dma_semaphore, #tpu.memory_space<semaphore_mem>>) src(%arg7 : memref<32x768xf32, #tpu.memory_space<vmem>>) dst(%dma_wait3A_360 : memref<32x768xf32, #tpu.memory_space<hbm>>)
    %dma_start3A_361 = arith.constant 128 : i32
    %dma_start3A_362 = tpu.memref_slice %arg6[%dma_start3A_361] : memref<288xi32, #tpu.memory_space<vmem>> -> memref<32xi32, #tpu.memory_space<vmem>>
    %dma_start3A_363 = arith.constant 0 : i32
    %dma_start3A_364 = arith.constant 0 : i32
    %dma_start3A_365 = tpu.memref_slice %arg3[%dma_start3A_363, %dma_start3A_364] : memref<36864x768xf32, #tpu.memory_space<hbm>> -> memref<36864x768xf32, #tpu.memory_space<hbm>>
    tpu.enqueue_indirect_dma source(%dma_start3A_365 : memref<36864x768xf32, #tpu.memory_space<hbm>>) target(%arg7 : memref<32x768xf32, #tpu.memory_space<vmem>>) offsets(%dma_start3A_362 : memref<32xi32, #tpu.memory_space<vmem>>) semaphore(%arg11 : memref<!tpu.dma_semaphore, #tpu.memory_space<semaphore_mem>>)
    %dma_wait3A_366 = arith.constant 96 : i32
    %dma_wait3A_367 = tpu.memref_slice %arg6[%dma_wait3A_366] : memref<288xi32, #tpu.memory_space<vmem>> -> memref<32xi32, #tpu.memory_space<vmem>>
    %dma_wait3A_368 = arith.constant 0 : i32
    %dma_wait3A_369 = arith.constant 0 : i32
    %dma_wait3A_370 = tpu.memref_slice %arg3[%dma_wait3A_368, %dma_wait3A_369] : memref<36864x768xf32, #tpu.memory_space<hbm>> -> memref<36864x768xf32, #tpu.memory_space<hbm>>
    tpu.wait_indirect_dma semaphore(%arg14 : memref<!tpu.dma_semaphore, #tpu.memory_space<semaphore_mem>>) src(%dma_wait3A_370 : memref<36864x768xf32, #tpu.memory_space<hbm>>) dst(%arg10 : memref<32x768xf32, #tpu.memory_space<vmem>>)
    %add3A_371 = arith.constant 96 : i32
    %add3A_372 = arith.addi %mul3A_2, %add3A_371 : i32
    %dma_start3A_373 = arith.constant 0 : i32
    %dma_start3A_374 = tpu.memref_slice %arg4[%add3A_372, %dma_start3A_373] : memref<9216x768xf32, #tpu.memory_space<hbm>> -> memref<32x768xf32, #tpu.memory_space<hbm>>
    %dma_start3A_375 = arith.constant 0 : i32
    %dma_start3A_376 = tpu.memref_slice %arg4[%add3A_372, %dma_start3A_375] : memref<9216x768xf32, #tpu.memory_space<hbm>> -> memref<32x768xf32, #tpu.memory_space<hbm>>
    tpu.enqueue_dma source(%arg10 : memref<32x768xf32, #tpu.memory_space<vmem>>) target(%dma_start3A_376 : memref<32x768xf32, #tpu.memory_space<hbm>>) target_semaphore(%arg18 : memref<!tpu.dma_semaphore, #tpu.memory_space<semaphore_mem>>)
    %dma_wait3A_377 = arith.constant 0 : i32
    %dma_wait3A_378 = tpu.memref_slice %arg4[%add3A_336, %dma_wait3A_377] : memref<9216x768xf32, #tpu.memory_space<hbm>> -> memref<32x768xf32, #tpu.memory_space<hbm>>
    %dma_wait3A_379 = arith.constant 0 : i32
    %dma_wait3A_380 = tpu.memref_slice %arg4[%add3A_336, %dma_wait3A_379] : memref<9216x768xf32, #tpu.memory_space<hbm>> -> memref<32x768xf32, #tpu.memory_space<hbm>>
    tpu.wait_dma2 semaphore(%arg16 : memref<!tpu.dma_semaphore, #tpu.memory_space<semaphore_mem>>) src(%arg8 : memref<32x768xf32, #tpu.memory_space<vmem>>) dst(%dma_wait3A_380 : memref<32x768xf32, #tpu.memory_space<hbm>>)
    %dma_start3A_381 = arith.constant 160 : i32
    %dma_start3A_382 = tpu.memref_slice %arg6[%dma_start3A_381] : memref<288xi32, #tpu.memory_space<vmem>> -> memref<32xi32, #tpu.memory_space<vmem>>
    %dma_start3A_383 = arith.constant 0 : i32
    %dma_start3A_384 = arith.constant 0 : i32
    %dma_start3A_385 = tpu.memref_slice %arg3[%dma_start3A_383, %dma_start3A_384] : memref<36864x768xf32, #tpu.memory_space<hbm>> -> memref<36864x768xf32, #tpu.memory_space<hbm>>
    tpu.enqueue_indirect_dma source(%dma_start3A_385 : memref<36864x768xf32, #tpu.memory_space<hbm>>) target(%arg8 : memref<32x768xf32, #tpu.memory_space<vmem>>) offsets(%dma_start3A_382 : memref<32xi32, #tpu.memory_space<vmem>>) semaphore(%arg12 : memref<!tpu.dma_semaphore, #tpu.memory_space<semaphore_mem>>)
    %dma_wait3A_386 = arith.constant 128 : i32
    %dma_wait3A_387 = tpu.memref_slice %arg6[%dma_wait3A_386] : memref<288xi32, #tpu.memory_space<vmem>> -> memref<32xi32, #tpu.memory_space<vmem>>
    %dma_wait3A_388 = arith.constant 0 : i32
    %dma_wait3A_389 = arith.constant 0 : i32
    %dma_wait3A_390 = tpu.memref_slice %arg3[%dma_wait3A_388, %dma_wait3A_389] : memref<36864x768xf32, #tpu.memory_space<hbm>> -> memref<36864x768xf32, #tpu.memory_space<hbm>>
    tpu.wait_indirect_dma semaphore(%arg11 : memref<!tpu.dma_semaphore, #tpu.memory_space<semaphore_mem>>) src(%dma_wait3A_390 : memref<36864x768xf32, #tpu.memory_space<hbm>>) dst(%arg7 : memref<32x768xf32, #tpu.memory_space<vmem>>)
    %add3A_391 = arith.constant 128 : i32
    %add3A_392 = arith.addi %mul3A_2, %add3A_391 : i32
    %dma_start3A_393 = arith.constant 0 : i32
    %dma_start3A_394 = tpu.memref_slice %arg4[%add3A_392, %dma_start3A_393] : memref<9216x768xf32, #tpu.memory_space<hbm>> -> memref<32x768xf32, #tpu.memory_space<hbm>>
    %dma_start3A_395 = arith.constant 0 : i32
    %dma_start3A_396 = tpu.memref_slice %arg4[%add3A_392, %dma_start3A_395] : memref<9216x768xf32, #tpu.memory_space<hbm>> -> memref<32x768xf32, #tpu.memory_space<hbm>>
    tpu.enqueue_dma source(%arg7 : memref<32x768xf32, #tpu.memory_space<vmem>>) target(%dma_start3A_396 : memref<32x768xf32, #tpu.memory_space<hbm>>) target_semaphore(%arg15 : memref<!tpu.dma_semaphore, #tpu.memory_space<semaphore_mem>>)
    %dma_wait3A_397 = arith.constant 0 : i32
    %dma_wait3A_398 = tpu.memref_slice %arg4[%add3A_352, %dma_wait3A_397] : memref<9216x768xf32, #tpu.memory_space<hbm>> -> memref<32x768xf32, #tpu.memory_space<hbm>>
    %dma_wait3A_399 = arith.constant 0 : i32
    %dma_wait3A_400 = tpu.memref_slice %arg4[%add3A_352, %dma_wait3A_399] : memref<9216x768xf32, #tpu.memory_space<hbm>> -> memref<32x768xf32, #tpu.memory_space<hbm>>
    tpu.wait_dma2 semaphore(%arg17 : memref<!tpu.dma_semaphore, #tpu.memory_space<semaphore_mem>>) src(%arg9 : memref<32x768xf32, #tpu.memory_space<vmem>>) dst(%dma_wait3A_400 : memref<32x768xf32, #tpu.memory_space<hbm>>)
    %dma_start3A_401 = arith.constant 192 : i32
    %dma_start3A_402 = tpu.memref_slice %arg6[%dma_start3A_401] : memref<288xi32, #tpu.memory_space<vmem>> -> memref<32xi32, #tpu.memory_space<vmem>>
    %dma_start3A_403 = arith.constant 0 : i32
    %dma_start3A_404 = arith.constant 0 : i32
    %dma_start3A_405 = tpu.memref_slice %arg3[%dma_start3A_403, %dma_start3A_404] : memref<36864x768xf32, #tpu.memory_space<hbm>> -> memref<36864x768xf32, #tpu.memory_space<hbm>>
    tpu.enqueue_indirect_dma source(%dma_start3A_405 : memref<36864x768xf32, #tpu.memory_space<hbm>>) target(%arg9 : memref<32x768xf32, #tpu.memory_space<vmem>>) offsets(%dma_start3A_402 : memref<32xi32, #tpu.memory_space<vmem>>) semaphore(%arg13 : memref<!tpu.dma_semaphore, #tpu.memory_space<semaphore_mem>>)
    %dma_wait3A_406 = arith.constant 160 : i32
    %dma_wait3A_407 = tpu.memref_slice %arg6[%dma_wait3A_406] : memref<288xi32, #tpu.memory_space<vmem>> -> memref<32xi32, #tpu.memory_space<vmem>>
    %dma_wait3A_408 = arith.constant 0 : i32
    %dma_wait3A_409 = arith.constant 0 : i32
    %dma_wait3A_410 = tpu.memref_slice %arg3[%dma_wait3A_408, %dma_wait3A_409] : memref<36864x768xf32, #tpu.memory_space<hbm>> -> memref<36864x768xf32, #tpu.memory_space<hbm>>
    tpu.wait_indirect_dma semaphore(%arg12 : memref<!tpu.dma_semaphore, #tpu.memory_space<semaphore_mem>>) src(%dma_wait3A_410 : memref<36864x768xf32, #tpu.memory_space<hbm>>) dst(%arg8 : memref<32x768xf32, #tpu.memory_space<vmem>>)
    %add3A_411 = arith.constant 160 : i32
    %add3A_412 = arith.addi %mul3A_2, %add3A_411 : i32
    %dma_start3A_413 = arith.constant 0 : i32
    %dma_start3A_414 = tpu.memref_slice %arg4[%add3A_412, %dma_start3A_413] : memref<9216x768xf32, #tpu.memory_space<hbm>> -> memref<32x768xf32, #tpu.memory_space<hbm>>
    %dma_start3A_415 = arith.constant 0 : i32
    %dma_start3A_416 = tpu.memref_slice %arg4[%add3A_412, %dma_start3A_415] : memref<9216x768xf32, #tpu.memory_space<hbm>> -> memref<32x768xf32, #tpu.memory_space<hbm>>
    tpu.enqueue_dma source(%arg8 : memref<32x768xf32, #tpu.memory_space<vmem>>) target(%dma_start3A_416 : memref<32x768xf32, #tpu.memory_space<hbm>>) target_semaphore(%arg16 : memref<!tpu.dma_semaphore, #tpu.memory_space<semaphore_mem>>)
    %dma_wait3A_417 = arith.constant 0 : i32
    %dma_wait3A_418 = tpu.memref_slice %arg4[%add3A_372, %dma_wait3A_417] : memref<9216x768xf32, #tpu.memory_space<hbm>> -> memref<32x768xf32, #tpu.memory_space<hbm>>
    %dma_wait3A_419 = arith.constant 0 : i32
    %dma_wait3A_420 = tpu.memref_slice %arg4[%add3A_372, %dma_wait3A_419] : memref<9216x768xf32, #tpu.memory_space<hbm>> -> memref<32x768xf32, #tpu.memory_space<hbm>>
    tpu.wait_dma2 semaphore(%arg18 : memref<!tpu.dma_semaphore, #tpu.memory_space<semaphore_mem>>) src(%arg10 : memref<32x768xf32, #tpu.memory_space<vmem>>) dst(%dma_wait3A_420 : memref<32x768xf32, #tpu.memory_space<hbm>>)
    %dma_start3A_421 = arith.constant 224 : i32
    %dma_start3A_422 = tpu.memref_slice %arg6[%dma_start3A_421] : memref<288xi32, #tpu.memory_space<vmem>> -> memref<32xi32, #tpu.memory_space<vmem>>
    %dma_start3A_423 = arith.constant 0 : i32
    %dma_start3A_424 = arith.constant 0 : i32
    %dma_start3A_425 = tpu.memref_slice %arg3[%dma_start3A_423, %dma_start3A_424] : memref<36864x768xf32, #tpu.memory_space<hbm>> -> memref<36864x768xf32, #tpu.memory_space<hbm>>
    tpu.enqueue_indirect_dma source(%dma_start3A_425 : memref<36864x768xf32, #tpu.memory_space<hbm>>) target(%arg10 : memref<32x768xf32, #tpu.memory_space<vmem>>) offsets(%dma_start3A_422 : memref<32xi32, #tpu.memory_space<vmem>>) semaphore(%arg14 : memref<!tpu.dma_semaphore, #tpu.memory_space<semaphore_mem>>)
    %dma_wait3A_426 = arith.constant 192 : i32
    %dma_wait3A_427 = tpu.memref_slice %arg6[%dma_wait3A_426] : memref<288xi32, #tpu.memory_space<vmem>> -> memref<32xi32, #tpu.memory_space<vmem>>
    %dma_wait3A_428 = arith.constant 0 : i32
    %dma_wait3A_429 = arith.constant 0 : i32
    %dma_wait3A_430 = tpu.memref_slice %arg3[%dma_wait3A_428, %dma_wait3A_429] : memref<36864x768xf32, #tpu.memory_space<hbm>> -> memref<36864x768xf32, #tpu.memory_space<hbm>>
    tpu.wait_indirect_dma semaphore(%arg13 : memref<!tpu.dma_semaphore, #tpu.memory_space<semaphore_mem>>) src(%dma_wait3A_430 : memref<36864x768xf32, #tpu.memory_space<hbm>>) dst(%arg9 : memref<32x768xf32, #tpu.memory_space<vmem>>)
    %add3A_431 = arith.constant 192 : i32
    %add3A_432 = arith.addi %mul3A_2, %add3A_431 : i32
    %dma_start3A_433 = arith.constant 0 : i32
    %dma_start3A_434 = tpu.memref_slice %arg4[%add3A_432, %dma_start3A_433] : memref<9216x768xf32, #tpu.memory_space<hbm>> -> memref<32x768xf32, #tpu.memory_space<hbm>>
    %dma_start3A_435 = arith.constant 0 : i32
    %dma_start3A_436 = tpu.memref_slice %arg4[%add3A_432, %dma_start3A_435] : memref<9216x768xf32, #tpu.memory_space<hbm>> -> memref<32x768xf32, #tpu.memory_space<hbm>>
    tpu.enqueue_dma source(%arg9 : memref<32x768xf32, #tpu.memory_space<vmem>>) target(%dma_start3A_436 : memref<32x768xf32, #tpu.memory_space<hbm>>) target_semaphore(%arg17 : memref<!tpu.dma_semaphore, #tpu.memory_space<semaphore_mem>>)
    %dma_wait3A_437 = arith.constant 0 : i32
    %dma_wait3A_438 = tpu.memref_slice %arg4[%add3A_392, %dma_wait3A_437] : memref<9216x768xf32, #tpu.memory_space<hbm>> -> memref<32x768xf32, #tpu.memory_space<hbm>>
    %dma_wait3A_439 = arith.constant 0 : i32
    %dma_wait3A_440 = tpu.memref_slice %arg4[%add3A_392, %dma_wait3A_439] : memref<9216x768xf32, #tpu.memory_space<hbm>> -> memref<32x768xf32, #tpu.memory_space<hbm>>
    tpu.wait_dma2 semaphore(%arg15 : memref<!tpu.dma_semaphore, #tpu.memory_space<semaphore_mem>>) src(%arg7 : memref<32x768xf32, #tpu.memory_space<vmem>>) dst(%dma_wait3A_440 : memref<32x768xf32, #tpu.memory_space<hbm>>)
    %dma_start3A_441 = arith.constant 256 : i32
    %dma_start3A_442 = tpu.memref_slice %arg6[%dma_start3A_441] : memref<288xi32, #tpu.memory_space<vmem>> -> memref<32xi32, #tpu.memory_space<vmem>>
    %dma_start3A_443 = arith.constant 0 : i32
    %dma_start3A_444 = arith.constant 0 : i32
    %dma_start3A_445 = tpu.memref_slice %arg3[%dma_start3A_443, %dma_start3A_444] : memref<36864x768xf32, #tpu.memory_space<hbm>> -> memref<36864x768xf32, #tpu.memory_space<hbm>>
    tpu.enqueue_indirect_dma source(%dma_start3A_445 : memref<36864x768xf32, #tpu.memory_space<hbm>>) target(%arg7 : memref<32x768xf32, #tpu.memory_space<vmem>>) offsets(%dma_start3A_442 : memref<32xi32, #tpu.memory_space<vmem>>) semaphore(%arg11 : memref<!tpu.dma_semaphore, #tpu.memory_space<semaphore_mem>>)
    %dma_wait3A_446 = arith.constant 224 : i32
    %dma_wait3A_447 = tpu.memref_slice %arg6[%dma_wait3A_446] : memref<288xi32, #tpu.memory_space<vmem>> -> memref<32xi32, #tpu.memory_space<vmem>>
    %dma_wait3A_448 = arith.constant 0 : i32
    %dma_wait3A_449 = arith.constant 0 : i32
    %dma_wait3A_450 = tpu.memref_slice %arg3[%dma_wait3A_448, %dma_wait3A_449] : memref<36864x768xf32, #tpu.memory_space<hbm>> -> memref<36864x768xf32, #tpu.memory_space<hbm>>
    tpu.wait_indirect_dma semaphore(%arg14 : memref<!tpu.dma_semaphore, #tpu.memory_space<semaphore_mem>>) src(%dma_wait3A_450 : memref<36864x768xf32, #tpu.memory_space<hbm>>) dst(%arg10 : memref<32x768xf32, #tpu.memory_space<vmem>>)
    %add3A_451 = arith.constant 224 : i32
    %add3A_452 = arith.addi %mul3A_2, %add3A_451 : i32
    %dma_start3A_453 = arith.constant 0 : i32
    %dma_start3A_454 = tpu.memref_slice %arg4[%add3A_452, %dma_start3A_453] : memref<9216x768xf32, #tpu.memory_space<hbm>> -> memref<32x768xf32, #tpu.memory_space<hbm>>
    %dma_start3A_455 = arith.constant 0 : i32
    %dma_start3A_456 = tpu.memref_slice %arg4[%add3A_452, %dma_start3A_455] : memref<9216x768xf32, #tpu.memory_space<hbm>> -> memref<32x768xf32, #tpu.memory_space<hbm>>
    tpu.enqueue_dma source(%arg10 : memref<32x768xf32, #tpu.memory_space<vmem>>) target(%dma_start3A_456 : memref<32x768xf32, #tpu.memory_space<hbm>>) target_semaphore(%arg18 : memref<!tpu.dma_semaphore, #tpu.memory_space<semaphore_mem>>)
    %dma_wait3A_457 = arith.constant 256 : i32
    %dma_wait3A_458 = tpu.memref_slice %arg6[%dma_wait3A_457] : memref<288xi32, #tpu.memory_space<vmem>> -> memref<32xi32, #tpu.memory_space<vmem>>
    %dma_wait3A_459 = arith.constant 0 : i32
    %dma_wait3A_460 = arith.constant 0 : i32
    %dma_wait3A_461 = tpu.memref_slice %arg3[%dma_wait3A_459, %dma_wait3A_460] : memref<36864x768xf32, #tpu.memory_space<hbm>> -> memref<36864x768xf32, #tpu.memory_space<hbm>>
    tpu.wait_indirect_dma semaphore(%arg11 : memref<!tpu.dma_semaphore, #tpu.memory_space<semaphore_mem>>) src(%dma_wait3A_461 : memref<36864x768xf32, #tpu.memory_space<hbm>>) dst(%arg7 : memref<32x768xf32, #tpu.memory_space<vmem>>)
    %add3A_462 = arith.constant 256 : i32
    %add3A_463 = arith.addi %mul3A_2, %add3A_462 : i32
    %dma_start3A_464 = arith.constant 0 : i32
    %dma_start3A_465 = tpu.memref_slice %arg4[%add3A_463, %dma_start3A_464] : memref<9216x768xf32, #tpu.memory_space<hbm>> -> memref<32x768xf32, #tpu.memory_space<hbm>>
    %dma_start3A_466 = arith.constant 0 : i32
    %dma_start3A_467 = tpu.memref_slice %arg4[%add3A_463, %dma_start3A_466] : memref<9216x768xf32, #tpu.memory_space<hbm>> -> memref<32x768xf32, #tpu.memory_space<hbm>>
    tpu.enqueue_dma source(%arg7 : memref<32x768xf32, #tpu.memory_space<vmem>>) target(%dma_start3A_467 : memref<32x768xf32, #tpu.memory_space<hbm>>) target_semaphore(%arg15 : memref<!tpu.dma_semaphore, #tpu.memory_space<semaphore_mem>>)
    %dma_wait3A_468 = arith.constant 0 : i32
    %dma_wait3A_469 = tpu.memref_slice %arg4[%add3A_412, %dma_wait3A_468] : memref<9216x768xf32, #tpu.memory_space<hbm>> -> memref<32x768xf32, #tpu.memory_space<hbm>>
    %dma_wait3A_470 = arith.constant 0 : i32
    %dma_wait3A_471 = tpu.memref_slice %arg4[%add3A_412, %dma_wait3A_470] : memref<9216x768xf32, #tpu.memory_space<hbm>> -> memref<32x768xf32, #tpu.memory_space<hbm>>
    tpu.wait_dma2 semaphore(%arg16 : memref<!tpu.dma_semaphore, #tpu.memory_space<semaphore_mem>>) src(%arg8 : memref<32x768xf32, #tpu.memory_space<vmem>>) dst(%dma_wait3A_471 : memref<32x768xf32, #tpu.memory_space<hbm>>)
    %dma_wait3A_472 = arith.constant 0 : i32
    %dma_wait3A_473 = tpu.memref_slice %arg4[%add3A_432, %dma_wait3A_472] : memref<9216x768xf32, #tpu.memory_space<hbm>> -> memref<32x768xf32, #tpu.memory_space<hbm>>
    %dma_wait3A_474 = arith.constant 0 : i32
    %dma_wait3A_475 = tpu.memref_slice %arg4[%add3A_432, %dma_wait3A_474] : memref<9216x768xf32, #tpu.memory_space<hbm>> -> memref<32x768xf32, #tpu.memory_space<hbm>>
    tpu.wait_dma2 semaphore(%arg17 : memref<!tpu.dma_semaphore, #tpu.memory_space<semaphore_mem>>) src(%arg9 : memref<32x768xf32, #tpu.memory_space<vmem>>) dst(%dma_wait3A_475 : memref<32x768xf32, #tpu.memory_space<hbm>>)
    %dma_wait3A_476 = arith.constant 0 : i32
    %dma_wait3A_477 = tpu.memref_slice %arg4[%add3A_452, %dma_wait3A_476] : memref<9216x768xf32, #tpu.memory_space<hbm>> -> memref<32x768xf32, #tpu.memory_space<hbm>>
    %dma_wait3A_478 = arith.constant 0 : i32
    %dma_wait3A_479 = tpu.memref_slice %arg4[%add3A_452, %dma_wait3A_478] : memref<9216x768xf32, #tpu.memory_space<hbm>> -> memref<32x768xf32, #tpu.memory_space<hbm>>
    tpu.wait_dma2 semaphore(%arg18 : memref<!tpu.dma_semaphore, #tpu.memory_space<semaphore_mem>>) src(%arg10 : memref<32x768xf32, #tpu.memory_space<vmem>>) dst(%dma_wait3A_479 : memref<32x768xf32, #tpu.memory_space<hbm>>)
    %dma_wait3A_480 = arith.constant 0 : i32
    %dma_wait3A_481 = tpu.memref_slice %arg4[%add3A_463, %dma_wait3A_480] : memref<9216x768xf32, #tpu.memory_space<hbm>> -> memref<32x768xf32, #tpu.memory_space<hbm>>
    %dma_wait3A_482 = arith.constant 0 : i32
    %dma_wait3A_483 = tpu.memref_slice %arg4[%add3A_463, %dma_wait3A_482] : memref<9216x768xf32, #tpu.memory_space<hbm>> -> memref<32x768xf32, #tpu.memory_space<hbm>>
    tpu.wait_dma2 semaphore(%arg15 : memref<!tpu.dma_semaphore, #tpu.memory_space<semaphore_mem>>) src(%arg7 : memref<32x768xf32, #tpu.memory_space<vmem>>) dst(%dma_wait3A_483 : memref<32x768xf32, #tpu.memory_space<hbm>>)
    return
  }
}

</mosaic_0001>

<sc_bundles>
// kernel: _gather.3.cloned.1.call-start
scs
__scs_entry_jumppad:
0x0: {  	(pc) =	sbr.rel $0x88, $3  }
0x1: {  	(tag) =	ssettag $0x0;
	lr =	simm.s32 $0x1  }
0x2: {  	[smem:$0x3F9F] =	sst lr;
	_ =	strace $0xD0000000  }
0x3: {  	_ = 	snop  }
0x4: {  	_ = 	snop  }
0x5: {  	_ = 	snop  }
0x6: {  	_ = 	snop  }
0x7: {  	_ = 	snop  }
__scs_overlays_trampoline_lowered:
0x8: {  	[smem:$0x3FAE] =	sst s0  }
0x9: {  	[smem:$0x3FAF] =	sst s1  }
0xa: {  	[smem:$0x3FB0] =	sst s2  }
0xb: {  	[smem:$0x3FB1] =	sst s3  }
0xc: {  	[smem:$0x3FB2] =	sst s4  }
0xd: {  	[smem:$0x3FB3] =	sst s5  }
0xe: {  	[smem:$0x3FB4] =	sst s6  }
0xf: {  	[smem:$0x3FB5] =	sst s7  }
0x10: {  	[smem:$0x3FB6] =	sst s8  }
0x11: {  	[smem:$0x3FB7] =	sst s9;
	s0 =	simm.s32 @!p0 $0x0  }
0x12: {  	s1 =	sld [smem:$0x3F9D];
	s0 =	simm.s32 @p0 $0x1  }
0x13: {  	[smem:$0x3FB8] =	sst s0;
	s0 =	simm.s32 @!p1 $0x0  }
0x14: {  	s2 =	sld [smem:$0x3F9C];
	s0 =	simm.s32 @p1 $0x1  }
0x15: {  	[smem:$0x3FB9] =	sst s0;
	s0 =	simm.s32 @!p2 $0x0  }
0x16: {  	s3 =	sld [smem:$0x3FDB];
	s0 =	simm.s32 @p2 $0x1  }
0x17: {  	s4 =	simm.s32 $0x1BF5;
	[smem:$0x3FBB] =	sst s0  }
0x18: {  	s0 =	sld [smem:$0x3F9E];
	_ =	swait.ge [sflag:s4], $0x0  }
0x19: {  	s7 =	sld [smem:$0x3F9F]  }
0x1a: {  	s8 =	sadd.s32 $0xFFFFE003, lr  }
0x1b: {  	s9 =	sadd.s32 $0xFFFFFEF7, lr;
	s5 =	simm.s32 $0xFFFFFFFF;
	p2 =	slt.u32 s8, $0xFFFFF086  }
0x1c: {  	p1 =	slt.u32 s9, $0xF7A;
	s5 =	simm.s32 @!p2 $0x0  }
0x1d: {  	s5 =	simm.s32 @p1 $0x1;
	p0 =	seq.s32 s7, s2  }
0x1e: {  	s7 =	smul.u32 @!p0 $0xF7A, s2;
	p2 =	seq.s32 @!p0 s5, $0x0  }
0x1f: {  	s9 =	smul.u32 $0xF7A, s1;
	s8 =	simm.s32 @!p0 $0x1BF5;
	p2 =	por !p2, p0  }
0x20: {  	[sflag:s8] =	ssyncset.s32 @!p0 $0xFFFFF086;
	s6 =	sadd.s32 @!p0 s3, s7;
	s7 =	simm.s32 @!p0 $0x108  }
0x21: {  	s3 =	sadd.s32 s3, s9;
	s6 =	sadd.s32 @!p0 $0x88, s6;
	s7 =	simm.s32 @p2 $0x1082  }
0x22: {  	[simem:s7], [sflag:s8] =	dma.local @!p0 [hbm:s6], $0xF7A  }
0x23: {  	s9 =	sor.u32 $0xD0000000, s2;
	s6 =	simm.s32 $0x108;
	_ =	swait.ge @!p0 [sflag:s8], $0x0  }
0x24: {  	s3 =	sadd.s32 $0x88, s3;
	s6 =	simm.s32 @!p1 $0x1082;
	[sflag:s4] =	ssyncset.s32 $0xFFFFF086  }
0x25: {  	[simem:s6], [sflag:s4] =	dma.local [hbm:s3], $0xF7A  }
0x26: {  	[smem:$0x3F9F] =	sst s1;
	(tag) =	ssettag s2;
	_ =	strace s9  }
0x27: {  	s1 =	sld [smem:$0x3FAF]  }
0x28: {  	s2 =	sld [smem:$0x3FB0]  }
0x29: {  	s4 =	sld [smem:$0x3FB2]  }
0x2a: {  	p0 =	seq.s32 s5, $0x0;
	s5 =	sld [smem:$0x3FB3]  }
0x2b: {  	s6 =	sld [smem:$0x3FB4]  }
0x2c: {  	s7 =	sld [smem:$0x3FB5]  }
0x2d: {  	s3 =	simm.s32 $0x108;
	s8 =	sld [smem:$0x3FB6]  }
0x2e: {  	s3 =	simm.s32 @!p0 $0x1082;
	s9 =	sld [smem:$0x3FB7]  }
0x2f: {  	lr =	sadd.s32 s0, s3;
	s0 =	sld [smem:$0x3FAE]  }
0x30: {  	s3 =	sld [smem:$0x3FB1]  }
0x31: {  	[smem:$0x3FBA] =	sst s10  }
0x32: {  	s10 =	sld [smem:$0x3FB8];
	_ =	sdelay $0x3  }
0x33: {  	p0 =	seq.s32 s10, $0x1;
	s10 =	sld [smem:$0x3FBA];
	_ =	sdelay $0x3  }
0x34: {  	[smem:$0x3FBA] =	sst s10  }
0x35: {  	s10 =	sld [smem:$0x3FB9];
	_ =	sdelay $0x3  }
0x36: {  	p1 =	seq.s32 s10, $0x1;
	s10 =	sld [smem:$0x3FBA];
	_ =	sdelay $0x3  }
0x37: {  	[smem:$0x3FBA] =	sst s10  }
0x38: {  	s10 =	sld [smem:$0x3FBB]  }
0x39: {  	_ = 	snop;
	(pc) =	sbr.ind lr, $3  }
0x3a: {  	_ = 	snop  }
0x3b: {  	_ = 	snop  }
0x3c: {  	p2 =	seq.s32 s10, $0x1;
	s10 =	sld [smem:$0x3FBA]  }
0x3d: {  	_ =	shalt  }
0x3e: {  	_ =	shalt  }
0x3f: {  	_ =	shalt  }
0x40: {  	_ =	shalt  }
0x41: {  	_ =	shalt  }
0x42: {  	_ =	shalt  }
0x43: {  	_ =	shalt  }
0x44: {  	_ =	shalt  }
0x45: {  	_ =	shalt  }
0x46: {  	_ =	shalt  }
0x47: {  	_ =	shalt  }
0x48: {  	_ =	shalt  }
0x49: {  	_ =	shalt  }
0x4a: {  	_ =	shalt  }
0x4b: {  	_ =	shalt  }
0x4c: {  	_ =	shalt  }
0x4d: {  	_ =	shalt  }
0x4e: {  	_ =	shalt  }
0x4f: {  	_ =	shalt  }
0x50: {  	_ =	shalt  }
0x51: {  	_ =	shalt  }
0x52: {  	_ =	shalt  }
0x53: {  	_ =	shalt  }
0x54: {  	_ =	shalt  }
0x55: {  	_ =	shalt  }
0x56: {  	_ =	shalt  }
0x57: {  	_ =	shalt  }
0x58: {  	_ =	shalt  }
0x59: {  	_ =	shalt  }
0x5a: {  	_ =	shalt  }
0x5b: {  	_ =	shalt  }
0x5c: {  	_ =	shalt  }
0x5d: {  	_ =	shalt  }
0x5e: {  	_ =	shalt  }
0x5f: {  	_ =	shalt  }
0x60: {  	_ =	shalt  }
0x61: {  	_ =	shalt  }
0x62: {  	_ =	shalt  }
0x63: {  	_ =	shalt  }
0x64: {  	_ =	shalt  }
0x65: {  	_ =	shalt  }
0x66: {  	_ =	shalt  }
0x67: {  	_ =	shalt  }
0x68: {  	_ =	shalt  }
0x69: {  	_ =	shalt  }
0x6a: {  	_ =	shalt  }
0x6b: {  	_ =	shalt  }
0x6c: {  	_ =	shalt  }
0x6d: {  	_ =	shalt  }
0x6e: {  	_ =	shalt  }
0x6f: {  	_ =	shalt  }
0x70: {  	_ =	shalt  }
0x71: {  	_ =	shalt  }
0x72: {  	_ =	shalt  }
0x73: {  	_ =	shalt  }
0x74: {  	_ =	shalt  }
0x75: {  	_ =	shalt  }
0x76: {  	_ =	shalt  }
0x77: {  	_ =	shalt  }
0x78: {  	_ =	shalt  }
0x79: {  	_ =	shalt  }
0x7a: {  	_ =	shalt  }
0x7b: {  	_ =	shalt  }
0x7c: {  	_ =	shalt  }
0x7d: {  	_ =	shalt  }
0x7e: {  	_ =	shalt  }
0x7f: {  	_ =	shalt  }
0x80: {  	_ =	shalt  }
0x81: {  	_ =	shalt  }
0x82: {  	_ =	shalt  }
0x83: {  	_ =	shalt  }
0x84: {  	_ =	shalt  }
0x85: {  	_ =	shalt  }
0x86: {  	_ =	shalt  }
0x87: {  	_ =	shalt  }
.Lfunc_end0:
.L_simem_size_0:
called_computation_lowered:
.L_overlay_start_0:
0x88: {  	s2 =	sld [smem:$0x3FD9]  }
0x89: {  	s3 =	sld [smem:$0x3FFE];
	_ =	sdelay $0x1  }
0x8a: {  	s1 =	srdreg.scid  }
0x8b: {  	s0 =	sand.u32 $0x1, s1  }
0x8c: {  	s18 =	sshll.u32 s0, $0xA;
	s2 =	sadd.s32 s3, s2  }
0x8d: {  	s2 =	sadd.s32 s2, s18  }
0x8e: {  	[smem:$0x3FC6] =	sst s2  }
0x8f: {  	_ = 	snop  }
0x90: {  	s2 =	sld [smem:$0x3FC9]  }
0x91: {  	s19 =	sld [smem:$0x3FC8]  }
0x92: {  	s4 =	sld [smem:$0x3FD0];
	(tm) =	ssettm $0x1  }
0x93: {  	s5 =	sld [smem:$0x3FFB];
	_ =	sdelay $0x3  }
0x94: {  	_ =	strace s5  }
0x95: {  	s5 =	sld [smem:$0x3FFC];
	_ =	sdelay $0x3  }
0x96: {  	_ =	strace s5  }
0x97: {  	s5 =	sld [smem:$0x3FFD];
	_ =	sdelay $0x3  }
0x98: {  	_ =	strace s5  }
0x99: {  	_ =	strace $0x8FFFFFFF  }
0x9a: {  	s20 =	sld [smem:$0x3FDB];
	_ =	sdelay $0x1  }
0x9b: {  	s6 =	simm.s32 $_scs_section_size  }
0x9c: {  	s7 =	simm.s32 $_size__tile_overlayer_lowered;
	s8 =	simm.s32 $_tile_overlayer_lowered  }
0x9d: {  	s23 =	simm.s32 $0x1BFF;
	s22 =	sshll.u32 s8, $0x1;
	s5 =	sadd.s32 s6, s20  }
0x9e: {  	s9 =	simm.s32 $0x0;
	s21 =	sshll.u32 s7, $0x1;
	s7 =	sadd.s32 s22, s5  }
0x9f: {  	[timem:s9], [sflag:s23] =	dma.local [hbm:s7], s21  }
0xa0: {  	_ =	swait.ge [sflag:s23], s21  }
0xa1: {  	s6 =	ssub.s32 $0x0, s21;
	[sflag:s23] =	ssyncset.done $0x0  }
0xa2: {  	[sflag:s23] =	ssyncadd.s32 s6;
	_ =	sdelay $0x1  }
0xa3: {  	s24 =	simm.s32 $0x1B8B  }
0xa4: {  	_ =	swait.ge [sflag:s24], $0x1  }
0xa5: {  	[sflag:s24] =	ssyncset.done $0x0  }
0xa6: {  	s25 =	simm.s32 $0x1B8E;
	[sflag:s24] =	ssyncadd.s32 $0xFFFFFFFF  }
0xa7: {  	s26 =	simm.s32 $execute0_lowered;
	[smem:$0x3FD2] =	sst s25  }
0xa8: {  	s6 =	sshll.u32 s26, $0x1;
	_ =	strace $0x80000046;
	[dreg:$0x1] =	wrdreg $0xFFFFFFFF  }
0xa9: {  	s28 =	simm.s32 $_size_execute0_lowered;
	s5 =	sadd.s32 s5, s6;
	[dreg:$0x0] =	wrdreg $0x0  }
0xaa: {  	s6 =	sshll.u32 s28, $0x1;
	[dreg:$0x2] =	wrdreg s5  }
0xab: {  	[dreg:$0x3] =	wrdreg s6  }
0xac: {  	[dreg:$0x4] =	wrdreg $0xC0  }
0xad: {  	_ =	task [dreg:s9], $0x5FFFF  }
0xae: {  	[dreg:$0x1] =	wrdreg $0xFFFFFFFF  }
0xaf: {  	[dreg:$0x0] =	wrdreg $0x60  }
0xb0: {  	[dreg:$0x2] =	wrdreg s2  }
0xb1: {  	[dreg:$0x3] =	wrdreg s19  }
0xb2: {  	[dreg:$0x4] =	wrdreg s4  }
0xb3: {  	[dreg:$0x5] =	wrdreg $0x9  }
0xb4: {  	_ =	task.clear_ibuf [dreg:s9], $0x6FFFF;
	_ =	strace $0x90000046  }
0xb5: {  	s29 =	simm.s32 $0x9;
	_ =	strace $0x80000048  }
0xb6: {  	_ =	swait.ge [sflag:s29], $0x1  }
0xb7: {  	[sflag:s29] =	ssyncadd.s32 $0xFFFFFFFF  }
0xb8: {  	_ =	strace $0x90000048  }
0xb9: {  	_ =	sfence  }
0xba: {  	s30 =	sld [smem:$0x0];
	_ =	sdelay $0x2  }
0xbb: {  	s31 =	sshll.u32 s1, $0xD;
	s1 =	sshrl.u32 s1, $0x2  }
0xbc: {  	s3 =	sand.u32 $0x4000, s31;
	s1 =	sadd.s32 s1, s30  }
0xbd: {  	s0 =	sor.u32 s3, s0;
	s1 =	sshll.u32 s1, $0x11  }
0xbe: {  	s0 =	sor.u32 s1, s0  }
0xbf: {  	s0 =	sadd.s32 $0x8F2B, s0  }
0xc0: {  	[sflag:s0] =	ssyncadd.remote.s32 $0x1  }
0xc1: {  	_ =	sfence.sel $0xFFFF  }
0xc2: {  	[dreg:$0x0] =	wrdreg $0xFFFFFFFF;
	(pc) =	sbr.abs _section_cstart, $3  }
0xc3: {  	[dreg:$0x1] =	wrdreg $0xFFFFFFFF  }
0xc4: {  	_ =	task.clear_ibuf [dreg:s9], $0x2FFFF;
	_ =	strace $0x9FFFFFFF  }
0xc5: {  	(tm) =	ssettm $0x7FFFFFFF  }
tec
execute0_lowered:
.L_overlay_start_1:
0x0: {  	(tag) =	ssettag $0x1  }
0x1: {  	s0 =	srdreg.scid  }
0x2: {  	s2 =	stileid.u32;
	s1 =	rddreg [dreg:$0x0]  }
0x3: {  	s5 =	rddreg [dreg:$0x2];
	s0 =	sand.u32 $0x1, s0;
	s3 =	sshll.u32 s2, $0x1  }
0x4: {  	s31 =	simm.s32 $0x6B00;
	s2 =	rddreg [dreg:$0x1];
	s3 =	sor.u32 s0, s3  }
0x5: {  	s0 =	ssub.s32 $0x2, s0;
	s6 =	smul.u32 $0x120, s3;
	s3 =	simm.s32 $0x0  }
0x6: {  	s28 =	simm.s32 $0x8300;
	s4 =	sshrl.u32 s0, $0x1;
	[smem:$0x7FF] =	sst s3  }
0x7: {  	s8 =	ssub.s32 s0, s4;
	s7 =	sshrl.u32 s6, $0x3;
	_ =	strace $0x80000047  }
0x8: {  	s0 =	sand.u32 $0x20, s6;
	s9 =	sadd.s32 $0x20, s6;
	s10 =	sadd.s32 $0x30, s6  }
0x9: {  	s11 =	sadd.s32 $0x60, s6;
	s4 =	sadd.s32 $0xA0, s6;
	s6 =	sadd.s32 $0xE0, s6  }
0xa: {  	s1 =	sadd.s32 s1, s7;
	s13 =	sand.u32 $0x20, s9;
	s7 =	smul.u32 $0x300, s7  }
0xb: {  	s9 =	sshrl.u32 s9, $0x3;
	s24 =	sand.u32 $0x30, s10;
	s25 =	sand.u32 $0x20, s11  }
0xc: {  	s11 =	sshrl.u32 s11, $0x3;
	s15 =	sshrl.u32 s4, $0x3;
	s19 =	sshrl.u32 s6, $0x3  }
0xd: {  	s30 =	sand.u32 $0x20, s4;
	s29 =	sand.u32 $0x20, s6;
	s9 =	smul.u32 $0x300, s9  }
0xe: {  	s6 =	sadd.s32 $0x200, s2;
	s10 =	simm.s32 $0x7B00;
	s11 =	smul.u32 $0x300, s11  }
0xf: {  	v9 =	vlaneseq.u32;
	[dreg:$0x4] =	wrdreg s1;
	s1 =	sor.u32 $0x10, s0;
	s17 =	smul.u32 $0x300, s15  }
0x10: {  	v0 =	vor.u32 s0, v9;
	s21 =	smul.u32 $0x300, s19;
	s0 =	simm.s32 $0x5;
	s12 =	sadd.s32 s5, s7  }
0x11: {  	v2 =	vor.u32 s13, v9;
	s13 =	simm.s32 $0xAB00;
	s9 =	sadd.s32 s5, s9;
	[dreg:$0xd] =	wrdreg s12  }
0x12: {  	s15 =	simm.s32 $0xBB00;
	s14 =	sadd.s32 $0x1800, s12;
	[dreg:$0x5] =	wrdreg s9  }
0x13: {  	v3 =	vor.u32 s24, v9;
	s24 =	simm.s32 $0xF300;
	s16 =	sadd.s32 s5, s11;
	[dreg:$0x6] =	wrdreg s14  }
0x14: {  	v4 =	vor.u32 s25, v9;
	s25 =	simm.s32 $0xFB00;
	s18 =	sadd.s32 $0x3000, s12;
	[dreg:$0x7] =	wrdreg s16  }
0x15: {  	v6 =	vor.u32 s29, v9;
	s29 =	simm.s32 $0x10B00;
	s20 =	sadd.s32 s5, s17;
	[dreg:$0x8] =	wrdreg s18  }
0x16: {  	s7 =	smax.u32 s8, $0x1;
	s22 =	sadd.s32 $0x4800, s12;
	[dreg:$0x9] =	wrdreg s20  }
0x17: {  	s23 =	sadd.s32 s5, s21;
	s5 =	sadd.s32 $0x100, s2;
	[dreg:$0xa] =	wrdreg s22  }
0x18: {  	s26 =	sadd.s32 $0x6000, s12;
	s11 =	simm.s32 $0x9B00;
	[dreg:$0xb] =	wrdreg s23  }
0x19: {  	v8 =	vshrl.u32 v9, $0x3;
	s12 =	simm.s32 $0xA300;
	s21 =	simm.s32 $0xEB00;
	[dreg:$0xc] =	wrdreg s26  }
0x1a: {  	vm0 =	vmmov $0xffff;
	v7 =	vand.u32 $0x7, v9;
	v8 =	vmul.u32 $0x8, v8;
	s20 =	simm.s32 $0x1;
	s26 =	simm.s32 $0x300;
	s23 =	simm.s32 $0x6300  }
0x1b: {  	v5 =	vor.u32 s30, v9;
	v1 =	vor.u32 s1, v9;
	v9 =	vor.u32 $0x8, v9;
	s14 =	simm.s32 $0xB300;
	s16 =	simm.s32 $0xC300;
	s22 =	simm.s32 $0x2  }
.LBB2_1:
0x1c: {  	s30 =	rddreg [dreg:$0x4];
	s8 =	simm.s32 $0x9  }
0x1d: {  	[tilespmem:s3], [sflag:$0x9] =	stream.linear.gather [hbm4b:s30+s3], $0x120, $0x38;
	[tilespmem:$0x18300] =	vst v63  }
0x1e: {  	_ =	swait.ge [sflag:s8], $0x120  }
0x1f: {  	[sflag:s8] =	ssyncset.done $0x0  }
0x20: {  	[sflag:s8] =	ssyncadd.s32 $0xFFFFFEE0  }
0x21: {  	v10 =	vld [tilespmem:$0x0]  }
0x22: {  	v11 =	vld [tilespmem:$0x10]  }
0x23: {  	v12 =	vld [tilespmem:$0x20]  }
0x24: {  	v13 =	vld [tilespmem:$0x30]  }
0x25: {  	v14 =	vld [tilespmem:$0x40]  }
0x26: {  	v15 =	vld [tilespmem:$0x50];
	v10 =	vshll.u32 v10, $0x6  }
0x27: {  	v16 =	vld [tilespmem:$0x60];
	v11 =	vshll.u32 v11, $0x6;
	v10 =	vor.u32 v0, v10  }
0x28: {  	v17 =	vld [tilespmem:$0x70];
	v12 =	vshll.u32 v12, $0x6;
	v11 =	vor.u32 v1, v11;
	[tilespmem:$0x180] =	vst v10  }
0x29: {  	v39 =	vld [tilespmem:$0x80];
	v38 =	vshll.u32 v13, $0x6;
	[tilespmem:$0x190] =	vst v11;
	v11 =	vor.u32 v2, v12  }
0x2a: {  	v41 =	vld [tilespmem:$0x90];
	v40 =	vshll.u32 v14, $0x6;
	[tilespmem:$0x1A0] =	vst v11;
	v11 =	vor.u32 v3, v38  }
0x2b: {  	v43 =	vld [tilespmem:$0xA0];
	v42 =	vshll.u32 v15, $0x6;
	[tilespmem:$0x1B0] =	vst v11;
	v11 =	vor.u32 v0, v40  }
0x2c: {  	v45 =	vld [tilespmem:$0xB0];
	v44 =	vshll.u32 v16, $0x6;
	[tilespmem:$0x1C0] =	vst v11;
	v11 =	vor.u32 v1, v42  }
0x2d: {  	v47 =	vld [tilespmem:$0xC0];
	v46 =	vshll.u32 v17, $0x6;
	[tilespmem:$0x1D0] =	vst v11;
	v11 =	vor.u32 v4, v44  }
0x2e: {  	v49 =	vld [tilespmem:$0xD0];
	v48 =	vshll.u32 v39, $0x6;
	[tilespmem:$0x1E0] =	vst v11;
	v11 =	vor.u32 v3, v46  }
0x2f: {  	v51 =	vld [tilespmem:$0xE0];
	v50 =	vshll.u32 v41, $0x6;
	v10 =	vshrl.u32 v10, $0x3;
	[tilespmem:$0x1F0] =	vst v11;
	v11 =	vor.u32 v0, v48  }
0x30: {  	v53 =	vld [tilespmem:$0xF0];
	v52 =	vshll.u32 v43, $0x6;
	v10 =	vmul.u32 $0x30, v10;
	[tilespmem:$0x200] =	vst v11;
	v11 =	vor.u32 v1, v50  }
0x31: {  	v55 =	vld [tilespmem:$0x100];
	v54 =	vshll.u32 v45, $0x6;
	[tilespmem:$0x210] =	vst v11;
	v11 =	vor.u32 v5, v52  }
0x32: {  	v57 =	vld [tilespmem:$0x110];
	v56 =	vshll.u32 v47, $0x6;
	v10 =	vor.u32 v7, v10;
	[tilespmem:$0x220] =	vst v11;
	v11 =	vor.u32 v3, v54  }
0x33: {  	v58 =	vshll.u32 v49, $0x6;
	v59 =	vperm.xlane v10, v7;
	[tilespmem:$0x230] =	vst v11;
	v11 =	vor.u32 v0, v56  }
0x34: {  	v60 =	vshll.u32 v51, $0x6;
	[tilespmem:$0x240] =	vst v11;
	v11 =	vor.u32 v1, v58  }
0x35: {  	v61 =	vshll.u32 v53, $0x6;
	v13 =	vadd.s32 v8, v59;
	[tilespmem:$0x250] =	vst v11;
	v11 =	vor.u32 v6, v60  }
0x36: {  	v62 =	vshll.u32 v55, $0x6;
	[tilespmem:$0x260] =	vst v11;
	v11 =	vor.u32 v3, v61  }
0x37: {  	v63 =	vshll.u32 v57, $0x6;
	[tilespmem:$0x270] =	vst v11;
	v11 =	vor.u32 v0, v62  }
0x38: {  	[tilespmem:$0x280] =	vst v11;
	v11 =	vor.u32 v1, v63  }
0x39: {  	v10 =	vperm.xlane v10, v9;
	[tilespmem:$0x290] =	vst v11  }
0x3a: {  	[tilespmem:s26], [sflag:$0x1] =	stream.indirect_vreg.gather [hbm4b:s2+s3], $0x80, v13, vm0, $0xb8;
	[tilespmem:$0x18300] =	vst v63  }
0x3b: {  	s1 =	simm.s32 $0xB00;
	v10 =	vadd.s32 v8, v10  }
0x3c: {  	[tilespmem:s1], [sflag:$0x1] =	stream.indirect_vreg.gather [hbm4b:s5+s3], $0x80, v13, vm0, $0xb8;
	[tilespmem:$0x18300] =	vst v63  }
0x3d: {  	s8 =	simm.s32 $0x1300  }
0x3e: {  	[tilespmem:s8], [sflag:$0x1] =	stream.indirect_vreg.gather [hbm4b:s6+s3], $0x80, v13, vm0, $0xb8;
	[tilespmem:$0x18300] =	vst v63  }
0x3f: {  	s9 =	simm.s32 $0x1B00  }
0x40: {  	[tilespmem:s9], [sflag:$0x1] =	stream.indirect_vreg.gather [hbm4b:s2+s3], $0x80, v10, vm0, $0xb8;
	[tilespmem:$0x18300] =	vst v63  }
0x41: {  	s17 =	simm.s32 $0x2300  }
0x42: {  	[tilespmem:s17], [sflag:$0x1] =	stream.indirect_vreg.gather [hbm4b:s5+s3], $0x80, v10, vm0, $0xb8;
	[tilespmem:$0x18300] =	vst v63  }
0x43: {  	s19 =	simm.s32 $0x2B00  }
0x44: {  	[tilespmem:s19], [sflag:$0x1] =	stream.indirect_vreg.gather [hbm4b:s6+s3], $0x80, v10, vm0, $0xb8;
	[tilespmem:$0x18300] =	vst v63  }
0x45: {  	v10 =	vld [tilespmem:$0x190];
	_ =	sdelay $0x4  }
0x46: {  	v11 =	vshrl.u32 v10, $0x3  }
0x47: {  	v11 =	vmul.u32 $0x30, v11  }
0x48: {  	v10 =	vand.u32 $0x7, v10  }
0x49: {  	v10 =	vor.u32 v10, v11  }
0x4a: {  	v11 =	vperm.xlane v10, v7;
	_ =	sdelay $0x1  }
0x4b: {  	v11 =	vadd.s32 v8, v11;
	_ =	sdelay $0x3  }
0x4c: {  	s30 =	simm.s32 $0x3300;
	v10 =	vperm.xlane v10, v9  }
0x4d: {  	[tilespmem:s30], [sflag:$0x1] =	stream.indirect_vreg.gather [hbm4b:s2+s3], $0x80, v11, vm0, $0xb8;
	[tilespmem:$0x18300] =	vst v63  }
0x4e: {  	s4 =	simm.s32 $0x3B00;
	v10 =	vadd.s32 v8, v10  }
0x4f: {  	[tilespmem:s4], [sflag:$0x1] =	stream.indirect_vreg.gather [hbm4b:s5+s3], $0x80, v11, vm0, $0xb8;
	[tilespmem:$0x18300] =	vst v63  }
0x50: {  	s8 =	simm.s32 $0x4300  }
0x51: {  	[tilespmem:s8], [sflag:$0x1] =	stream.indirect_vreg.gather [hbm4b:s6+s3], $0x80, v11, vm0, $0xb8;
	[tilespmem:$0x18300] =	vst v63  }
0x52: {  	s9 =	simm.s32 $0x4B00  }
0x53: {  	[tilespmem:s9], [sflag:$0x1] =	stream.indirect_vreg.gather [hbm4b:s2+s3], $0x80, v10, vm0, $0xb8;
	[tilespmem:$0x18300] =	vst v63  }
0x54: {  	s17 =	simm.s32 $0x5300  }
0x55: {  	[tilespmem:s17], [sflag:$0x1] =	stream.indirect_vreg.gather [hbm4b:s5+s3], $0x80, v10, vm0, $0xb8;
	[tilespmem:$0x18300] =	vst v63  }
0x56: {  	s30 =	simm.s32 $0x5B00  }
0x57: {  	[tilespmem:s30], [sflag:$0x1] =	stream.indirect_vreg.gather [hbm4b:s6+s3], $0x80, v10, vm0, $0xb8;
	[tilespmem:$0x18300] =	vst v63  }
0x58: {  	v10 =	vld [tilespmem:$0x1A0];
	_ =	sdelay $0x4  }
0x59: {  	v11 =	vshrl.u32 v10, $0x3  }
0x5a: {  	v11 =	vmul.u32 $0x30, v11  }
0x5b: {  	v10 =	vand.u32 $0x7, v10  }
0x5c: {  	v10 =	vor.u32 v10, v11  }
0x5d: {  	v11 =	vperm.xlane v10, v7;
	_ =	sdelay $0x1  }
0x5e: {  	v11 =	vadd.s32 v8, v11;
	_ =	sdelay $0x3  }
0x5f: {  	v10 =	vperm.xlane v10, v9  }
0x60: {  	[tilespmem:s23], [sflag:$0x2] =	stream.indirect_vreg.gather [hbm4b:s2+s3], $0x80, v11, vm0, $0xb8;
	[tilespmem:$0x18300] =	vst v63  }
0x61: {  	v10 =	vadd.s32 v8, v10  }
0x62: {  	[tilespmem:s31], [sflag:$0x2] =	stream.indirect_vreg.gather [hbm4b:s5+s3], $0x80, v11, vm0, $0xb8;
	[tilespmem:$0x18300] =	vst v63  }
0x63: {  	s8 =	simm.s32 $0x7300  }
0x64: {  	[tilespmem:s8], [sflag:$0x2] =	stream.indirect_vreg.gather [hbm4b:s6+s3], $0x80, v11, vm0, $0xb8;
	[tilespmem:$0x18300] =	vst v63  }
0x65: {  	_ = 	snop  }
0x66: {  	[tilespmem:s10], [sflag:$0x2] =	stream.indirect_vreg.gather [hbm4b:s2+s3], $0x80, v10, vm0, $0xb8;
	[tilespmem:$0x18300] =	vst v63  }
0x67: {  	_ = 	snop  }
0x68: {  	[tilespmem:s28], [sflag:$0x2] =	stream.indirect_vreg.gather [hbm4b:s5+s3], $0x80, v10, vm0, $0xb8;
	[tilespmem:$0x18300] =	vst v63  }
0x69: {  	s9 =	simm.s32 $0x8B00  }
0x6a: {  	[tilespmem:s9], [sflag:$0x2] =	stream.indirect_vreg.gather [hbm4b:s6+s3], $0x80, v10, vm0, $0xb8;
	[tilespmem:$0x18300] =	vst v63  }
0x6b: {  	v10 =	vld [tilespmem:$0x1B0];
	_ =	sdelay $0x4  }
0x6c: {  	v11 =	vshrl.u32 v10, $0x3  }
0x6d: {  	v11 =	vmul.u32 $0x30, v11  }
0x6e: {  	v10 =	vand.u32 $0x7, v10  }
0x6f: {  	v10 =	vor.u32 v10, v11  }
0x70: {  	v11 =	vperm.xlane v10, v7;
	_ =	sdelay $0x1  }
0x71: {  	v11 =	vadd.s32 v8, v11;
	_ =	sdelay $0x3  }
0x72: {  	s1 =	simm.s32 $0x9300;
	v10 =	vperm.xlane v10, v9  }
0x73: {  	[tilespmem:s1], [sflag:$0x2] =	stream.indirect_vreg.gather [hbm4b:s2+s3], $0x80, v11, vm0, $0xb8;
	[tilespmem:$0x18300] =	vst v63  }
0x74: {  	v10 =	vadd.s32 v8, v10  }
0x75: {  	[tilespmem:s11], [sflag:$0x2] =	stream.indirect_vreg.gather [hbm4b:s5+s3], $0x80, v11, vm0, $0xb8;
	[tilespmem:$0x18300] =	vst v63  }
0x76: {  	_ = 	snop  }
0x77: {  	[tilespmem:s12], [sflag:$0x2] =	stream.indirect_vreg.gather [hbm4b:s6+s3], $0x80, v11, vm0, $0xb8;
	[tilespmem:$0x18300] =	vst v63  }
0x78: {  	_ = 	snop  }
0x79: {  	[tilespmem:s13], [sflag:$0x2] =	stream.indirect_vreg.gather [hbm4b:s2+s3], $0x80, v10, vm0, $0xb8;
	[tilespmem:$0x18300] =	vst v63  }
0x7a: {  	_ = 	snop  }
0x7b: {  	[tilespmem:s14], [sflag:$0x2] =	stream.indirect_vreg.gather [hbm4b:s5+s3], $0x80, v10, vm0, $0xb8;
	[tilespmem:$0x18300] =	vst v63  }
0x7c: {  	_ = 	snop  }
0x7d: {  	[tilespmem:s15], [sflag:$0x2] =	stream.indirect_vreg.gather [hbm4b:s6+s3], $0x80, v10, vm0, $0xb8;
	[tilespmem:$0x18300] =	vst v63  }
0x7e: {  	_ =	swait.ge [sflag:s20], $0x6000  }
0x7f: {  	[sflag:s20] =	ssyncset.done $0x0  }
0x80: {  	s4 =	rddreg [dreg:$0xd];
	[sflag:s20] =	ssyncadd.s32 $0xFFFFA000  }
0x81: {  	[hbm4b:s4+s3] =	stream.linear.scatter [tilespmem:s26], [sflag:$0x5], $0x6000, $0x38;
	[tilespmem:$0x18300] =	vst v63  }
0x82: {  	v10 =	vld [tilespmem:$0x1C0];
	_ =	sdelay $0x4  }
0x83: {  	v11 =	vshrl.u32 v10, $0x3  }
0x84: {  	v11 =	vmul.u32 $0x30, v11  }
0x85: {  	v10 =	vand.u32 $0x7, v10  }
0x86: {  	v10 =	vor.u32 v10, v11  }
0x87: {  	v11 =	vperm.xlane v10, v7;
	_ =	sdelay $0x1  }
0x88: {  	v11 =	vadd.s32 v8, v11;
	_ =	sdelay $0x3  }
0x89: {  	v10 =	vperm.xlane v10, v9  }
0x8a: {  	[tilespmem:s16], [sflag:$0x3] =	stream.indirect_vreg.gather [hbm4b:s2+s3], $0x80, v11, vm0, $0xb8;
	[tilespmem:$0x18300] =	vst v63  }
0x8b: {  	s4 =	simm.s32 $0xCB00;
	v10 =	vadd.s32 v8, v10  }
0x8c: {  	[tilespmem:s4], [sflag:$0x3] =	stream.indirect_vreg.gather [hbm4b:s5+s3], $0x80, v11, vm0, $0xb8;
	[tilespmem:$0x18300] =	vst v63  }
0x8d: {  	s17 =	simm.s32 $0xD300  }
0x8e: {  	[tilespmem:s17], [sflag:$0x3] =	stream.indirect_vreg.gather [hbm4b:s6+s3], $0x80, v11, vm0, $0xb8;
	[tilespmem:$0x18300] =	vst v63  }
0x8f: {  	s30 =	simm.s32 $0xDB00  }
0x90: {  	[tilespmem:s30], [sflag:$0x3] =	stream.indirect_vreg.gather [hbm4b:s2+s3], $0x80, v10, vm0, $0xb8;
	[tilespmem:$0x18300] =	vst v63  }
0x91: {  	s17 =	simm.s32 $0xE300  }
0x92: {  	[tilespmem:s17], [sflag:$0x3] =	stream.indirect_vreg.gather [hbm4b:s5+s3], $0x80, v10, vm0, $0xb8;
	[tilespmem:$0x18300] =	vst v63  }
0x93: {  	_ = 	snop  }
0x94: {  	[tilespmem:s21], [sflag:$0x3] =	stream.indirect_vreg.gather [hbm4b:s6+s3], $0x80, v10, vm0, $0xb8;
	[tilespmem:$0x18300] =	vst v63  }
0x95: {  	v10 =	vld [tilespmem:$0x1D0];
	_ =	sdelay $0x4  }
0x96: {  	v11 =	vshrl.u32 v10, $0x3  }
0x97: {  	v11 =	vmul.u32 $0x30, v11  }
0x98: {  	v10 =	vand.u32 $0x7, v10  }
0x99: {  	v10 =	vor.u32 v10, v11  }
0x9a: {  	v11 =	vperm.xlane v10, v7;
	_ =	sdelay $0x1  }
0x9b: {  	v11 =	vadd.s32 v8, v11;
	_ =	sdelay $0x3  }
0x9c: {  	v10 =	vperm.xlane v10, v9  }
0x9d: {  	[tilespmem:s24], [sflag:$0x3] =	stream.indirect_vreg.gather [hbm4b:s2+s3], $0x80, v11, vm0, $0xb8;
	[tilespmem:$0x18300] =	vst v63  }
0x9e: {  	v10 =	vadd.s32 v8, v10  }
0x9f: {  	[tilespmem:s25], [sflag:$0x3] =	stream.indirect_vreg.gather [hbm4b:s5+s3], $0x80, v11, vm0, $0xb8;
	[tilespmem:$0x18300] =	vst v63  }
0xa0: {  	s30 =	simm.s32 $0x10300  }
0xa1: {  	[tilespmem:s30], [sflag:$0x3] =	stream.indirect_vreg.gather [hbm4b:s6+s3], $0x80, v11, vm0, $0xb8;
	[tilespmem:$0x18300] =	vst v63  }
0xa2: {  	_ = 	snop  }
0xa3: {  	[tilespmem:s29], [sflag:$0x3] =	stream.indirect_vreg.gather [hbm4b:s2+s3], $0x80, v10, vm0, $0xb8;
	[tilespmem:$0x18300] =	vst v63  }
0xa4: {  	s17 =	simm.s32 $0x11300  }
0xa5: {  	[tilespmem:s17], [sflag:$0x3] =	stream.indirect_vreg.gather [hbm4b:s5+s3], $0x80, v10, vm0, $0xb8;
	[tilespmem:$0x18300] =	vst v63  }
0xa6: {  	s30 =	simm.s32 $0x11B00  }
0xa7: {  	[tilespmem:s30], [sflag:$0x3] =	stream.indirect_vreg.gather [hbm4b:s6+s3], $0x80, v10, vm0, $0xb8;
	[tilespmem:$0x18300] =	vst v63  }
0xa8: {  	_ =	swait.ge [sflag:s22], $0x6000  }
0xa9: {  	[sflag:s22] =	ssyncset.done $0x0  }
0xaa: {  	s17 =	rddreg [dreg:$0x5];
	[sflag:s22] =	ssyncadd.s32 $0xFFFFA000  }
0xab: {  	[hbm4b:s17+s3] =	stream.linear.scatter [tilespmem:s23], [sflag:$0x6], $0x6000, $0x38;
	[tilespmem:$0x18300] =	vst v63  }
0xac: {  	v10 =	vld [tilespmem:$0x1E0];
	_ =	sdelay $0x4  }
0xad: {  	v11 =	vshrl.u32 v10, $0x3  }
0xae: {  	v11 =	vmul.u32 $0x30, v11  }
0xaf: {  	v10 =	vand.u32 $0x7, v10  }
0xb0: {  	v10 =	vor.u32 v10, v11  }
0xb1: {  	v11 =	vperm.xlane v10, v7;
	_ =	sdelay $0x1  }
0xb2: {  	v11 =	vadd.s32 v8, v11;
	_ =	sdelay $0x3  }
0xb3: {  	s4 =	simm.s32 $0x12300;
	v10 =	vperm.xlane v10, v9  }
0xb4: {  	[tilespmem:s4], [sflag:$0x4] =	stream.indirect_vreg.gather [hbm4b:s2+s3], $0x80, v11, vm0, $0xb8;
	[tilespmem:$0x18300] =	vst v63  }
0xb5: {  	s17 =	simm.s32 $0x12B00;
	v10 =	vadd.s32 v8, v10  }
0xb6: {  	[tilespmem:s17], [sflag:$0x4] =	stream.indirect_vreg.gather [hbm4b:s5+s3], $0x80, v11, vm0, $0xb8;
	[tilespmem:$0x18300] =	vst v63  }
0xb7: {  	s30 =	simm.s32 $0x13300  }
0xb8: {  	[tilespmem:s30], [sflag:$0x4] =	stream.indirect_vreg.gather [hbm4b:s6+s3], $0x80, v11, vm0, $0xb8;
	[tilespmem:$0x18300] =	vst v63  }
0xb9: {  	s30 =	simm.s32 $0x13B00  }
0xba: {  	[tilespmem:s30], [sflag:$0x4] =	stream.indirect_vreg.gather [hbm4b:s2+s3], $0x80, v10, vm0, $0xb8;
	[tilespmem:$0x18300] =	vst v63  }
0xbb: {  	s30 =	simm.s32 $0x14300  }
0xbc: {  	[tilespmem:s30], [sflag:$0x4] =	stream.indirect_vreg.gather [hbm4b:s5+s3], $0x80, v10, vm0, $0xb8;
	[tilespmem:$0x18300] =	vst v63  }
0xbd: {  	s30 =	simm.s32 $0x14B00  }
0xbe: {  	[tilespmem:s30], [sflag:$0x4] =	stream.indirect_vreg.gather [hbm4b:s6+s3], $0x80, v10, vm0, $0xb8;
	[tilespmem:$0x18300] =	vst v63  }
0xbf: {  	v10 =	vld [tilespmem:$0x1F0];
	_ =	sdelay $0x4  }
0xc0: {  	v11 =	vshrl.u32 v10, $0x3  }
0xc1: {  	v11 =	vmul.u32 $0x30, v11  }
0xc2: {  	v10 =	vand.u32 $0x7, v10  }
0xc3: {  	v10 =	vor.u32 v10, v11  }
0xc4: {  	v11 =	vperm.xlane v10, v7;
	_ =	sdelay $0x1  }
0xc5: {  	v11 =	vadd.s32 v8, v11;
	_ =	sdelay $0x3  }
0xc6: {  	s30 =	simm.s32 $0x15300;
	v10 =	vperm.xlane v10, v9  }
0xc7: {  	[tilespmem:s30], [sflag:$0x4] =	stream.indirect_vreg.gather [hbm4b:s2+s3], $0x80, v11, vm0, $0xb8;
	[tilespmem:$0x18300] =	vst v63  }
0xc8: {  	v10 =	vadd.s32 v8, v10;
	s30 =	simm.s32 $0x15B00  }
0xc9: {  	[tilespmem:s30], [sflag:$0x4] =	stream.indirect_vreg.gather [hbm4b:s5+s3], $0x80, v11, vm0, $0xb8;
	[tilespmem:$0x18300] =	vst v63  }
0xca: {  	s30 =	simm.s32 $0x16300  }
0xcb: {  	[tilespmem:s30], [sflag:$0x4] =	stream.indirect_vreg.gather [hbm4b:s6+s3], $0x80, v11, vm0, $0xb8;
	[tilespmem:$0x18300] =	vst v63  }
0xcc: {  	s30 =	simm.s32 $0x16B00  }
0xcd: {  	[tilespmem:s30], [sflag:$0x4] =	stream.indirect_vreg.gather [hbm4b:s2+s3], $0x80, v10, vm0, $0xb8;
	[tilespmem:$0x18300] =	vst v63  }
0xce: {  	s30 =	simm.s32 $0x17300  }
0xcf: {  	[tilespmem:s30], [sflag:$0x4] =	stream.indirect_vreg.gather [hbm4b:s5+s3], $0x80, v10, vm0, $0xb8;
	[tilespmem:$0x18300] =	vst v63  }
0xd0: {  	s17 =	simm.s32 $0x3;
	s30 =	simm.s32 $0x17B00  }
0xd1: {  	[tilespmem:s30], [sflag:$0x4] =	stream.indirect_vreg.gather [hbm4b:s6+s3], $0x80, v10, vm0, $0xb8;
	[tilespmem:$0x18300] =	vst v63  }
0xd2: {  	_ =	swait.ge [sflag:s17], $0x6000  }
0xd3: {  	[sflag:s17] =	ssyncset.done $0x0  }
0xd4: {  	s30 =	rddreg [dreg:$0x6];
	[sflag:s17] =	ssyncadd.s32 $0xFFFFA000  }
0xd5: {  	[hbm4b:s30+s3] =	stream.linear.scatter [tilespmem:s16], [sflag:$0x7], $0x6000, $0x38;
	[tilespmem:$0x18300] =	vst v63  }
0xd6: {  	_ =	swait.ge [sflag:s0], $0x6000  }
0xd7: {  	[sflag:s0] =	ssyncset.done $0x0  }
0xd8: {  	[sflag:s0] =	ssyncadd.s32 $0xFFFFA000  }
0xd9: {  	v10 =	vld [tilespmem:$0x200];
	_ =	sdelay $0x4  }
0xda: {  	v11 =	vshrl.u32 v10, $0x3  }
0xdb: {  	v11 =	vmul.u32 $0x30, v11  }
0xdc: {  	v10 =	vand.u32 $0x7, v10  }
0xdd: {  	v10 =	vor.u32 v10, v11  }
0xde: {  	v11 =	vperm.xlane v10, v7;
	_ =	sdelay $0x1  }
0xdf: {  	v11 =	vadd.s32 v8, v11;
	_ =	sdelay $0x3  }
0xe0: {  	v10 =	vperm.xlane v10, v9  }
0xe1: {  	[tilespmem:s26], [sflag:$0x1] =	stream.indirect_vreg.gather [hbm4b:s2+s3], $0x80, v11, vm0, $0xb8;
	[tilespmem:$0x18300] =	vst v63  }
0xe2: {  	s18 =	simm.s32 $0xB00;
	v10 =	vadd.s32 v8, v10  }
0xe3: {  	[tilespmem:s18], [sflag:$0x1] =	stream.indirect_vreg.gather [hbm4b:s5+s3], $0x80, v11, vm0, $0xb8;
	[tilespmem:$0x18300] =	vst v63  }
0xe4: {  	s30 =	simm.s32 $0x1300  }
0xe5: {  	[tilespmem:s30], [sflag:$0x1] =	stream.indirect_vreg.gather [hbm4b:s6+s3], $0x80, v11, vm0, $0xb8;
	[tilespmem:$0x18300] =	vst v63  }
0xe6: {  	s30 =	simm.s32 $0x1B00  }
0xe7: {  	[tilespmem:s30], [sflag:$0x1] =	stream.indirect_vreg.gather [hbm4b:s2+s3], $0x80, v10, vm0, $0xb8;
	[tilespmem:$0x18300] =	vst v63  }
0xe8: {  	s30 =	simm.s32 $0x2300  }
0xe9: {  	[tilespmem:s30], [sflag:$0x1] =	stream.indirect_vreg.gather [hbm4b:s5+s3], $0x80, v10, vm0, $0xb8;
	[tilespmem:$0x18300] =	vst v63  }
0xea: {  	s19 =	simm.s32 $0x2B00  }
0xeb: {  	[tilespmem:s19], [sflag:$0x1] =	stream.indirect_vreg.gather [hbm4b:s6+s3], $0x80, v10, vm0, $0xb8;
	[tilespmem:$0x18300] =	vst v63  }
0xec: {  	v10 =	vld [tilespmem:$0x210];
	_ =	sdelay $0x4  }
0xed: {  	v11 =	vshrl.u32 v10, $0x3  }
0xee: {  	v11 =	vmul.u32 $0x30, v11  }
0xef: {  	v10 =	vand.u32 $0x7, v10  }
0xf0: {  	v10 =	vor.u32 v10, v11  }
0xf1: {  	v11 =	vperm.xlane v10, v7;
	_ =	sdelay $0x1  }
0xf2: {  	v11 =	vadd.s32 v8, v11;
	_ =	sdelay $0x3  }
0xf3: {  	s19 =	simm.s32 $0x3300;
	v10 =	vperm.xlane v10, v9  }
0xf4: {  	[tilespmem:s19], [sflag:$0x1] =	stream.indirect_vreg.gather [hbm4b:s2+s3], $0x80, v11, vm0, $0xb8;
	[tilespmem:$0x18300] =	vst v63  }
0xf5: {  	s30 =	simm.s32 $0x3B00;
	v10 =	vadd.s32 v8, v10  }
0xf6: {  	[tilespmem:s30], [sflag:$0x1] =	stream.indirect_vreg.gather [hbm4b:s5+s3], $0x80, v11, vm0, $0xb8;
	[tilespmem:$0x18300] =	vst v63  }
0xf7: {  	s19 =	simm.s32 $0x4300  }
0xf8: {  	[tilespmem:s19], [sflag:$0x1] =	stream.indirect_vreg.gather [hbm4b:s6+s3], $0x80, v11, vm0, $0xb8;
	[tilespmem:$0x18300] =	vst v63  }
0xf9: {  	s30 =	simm.s32 $0x4B00  }
0xfa: {  	[tilespmem:s30], [sflag:$0x1] =	stream.indirect_vreg.gather [hbm4b:s2+s3], $0x80, v10, vm0, $0xb8;
	[tilespmem:$0x18300] =	vst v63  }
0xfb: {  	s19 =	simm.s32 $0x5300  }
0xfc: {  	[tilespmem:s19], [sflag:$0x1] =	stream.indirect_vreg.gather [hbm4b:s5+s3], $0x80, v10, vm0, $0xb8;
	[tilespmem:$0x18300] =	vst v63  }
0xfd: {  	s18 =	simm.s32 $0x4;
	s30 =	simm.s32 $0x5B00  }
0xfe: {  	[tilespmem:s30], [sflag:$0x1] =	stream.indirect_vreg.gather [hbm4b:s6+s3], $0x80, v10, vm0, $0xb8;
	[tilespmem:$0x18300] =	vst v63  }
0xff: {  	_ =	swait.ge [sflag:s18], $0x6000  }
0x100: {  	[sflag:s18] =	ssyncset.done $0x0  }
0x101: {  	s19 =	rddreg [dreg:$0x7];
	[sflag:s18] =	ssyncadd.s32 $0xFFFFA000  }
0x102: {  	[hbm4b:s19+s3] =	stream.linear.scatter [tilespmem:s4], [sflag:$0x8], $0x6000, $0x38;
	[tilespmem:$0x18300] =	vst v63  }
0x103: {  	s19 =	simm.s32 $0x6  }
0x104: {  	_ =	swait.ge [sflag:s19], $0x6000  }
0x105: {  	[sflag:s19] =	ssyncset.done $0x0  }
0x106: {  	[sflag:s19] =	ssyncadd.s32 $0xFFFFA000  }
0x107: {  	v10 =	vld [tilespmem:$0x220];
	_ =	sdelay $0x4  }
0x108: {  	v11 =	vshrl.u32 v10, $0x3  }
0x109: {  	v11 =	vmul.u32 $0x30, v11  }
0x10a: {  	v10 =	vand.u32 $0x7, v10  }
0x10b: {  	v10 =	vor.u32 v10, v11  }
0x10c: {  	v11 =	vperm.xlane v10, v7;
	_ =	sdelay $0x1  }
0x10d: {  	v11 =	vadd.s32 v8, v11;
	_ =	sdelay $0x3  }
0x10e: {  	v10 =	vperm.xlane v10, v9  }
0x10f: {  	[tilespmem:s23], [sflag:$0x2] =	stream.indirect_vreg.gather [hbm4b:s2+s3], $0x80, v11, vm0, $0xb8;
	[tilespmem:$0x18300] =	vst v63  }
0x110: {  	v10 =	vadd.s32 v8, v10  }
0x111: {  	[tilespmem:s31], [sflag:$0x2] =	stream.indirect_vreg.gather [hbm4b:s5+s3], $0x80, v11, vm0, $0xb8;
	[tilespmem:$0x18300] =	vst v63  }
0x112: {  	_ = 	snop  }
0x113: {  	[tilespmem:s8], [sflag:$0x2] =	stream.indirect_vreg.gather [hbm4b:s6+s3], $0x80, v11, vm0, $0xb8;
	[tilespmem:$0x18300] =	vst v63  }
0x114: {  	_ = 	snop  }
0x115: {  	[tilespmem:s10], [sflag:$0x2] =	stream.indirect_vreg.gather [hbm4b:s2+s3], $0x80, v10, vm0, $0xb8;
	[tilespmem:$0x18300] =	vst v63  }
0x116: {  	_ = 	snop  }
0x117: {  	[tilespmem:s28], [sflag:$0x2] =	stream.indirect_vreg.gather [hbm4b:s5+s3], $0x80, v10, vm0, $0xb8;
	[tilespmem:$0x18300] =	vst v63  }
0x118: {  	_ = 	snop  }
0x119: {  	[tilespmem:s9], [sflag:$0x2] =	stream.indirect_vreg.gather [hbm4b:s6+s3], $0x80, v10, vm0, $0xb8;
	[tilespmem:$0x18300] =	vst v63  }
0x11a: {  	v10 =	vld [tilespmem:$0x230];
	_ =	sdelay $0x4  }
0x11b: {  	v11 =	vshrl.u32 v10, $0x3  }
0x11c: {  	v11 =	vmul.u32 $0x30, v11  }
0x11d: {  	v10 =	vand.u32 $0x7, v10  }
0x11e: {  	v10 =	vor.u32 v10, v11  }
0x11f: {  	v11 =	vperm.xlane v10, v7;
	_ =	sdelay $0x1  }
0x120: {  	v11 =	vadd.s32 v8, v11;
	_ =	sdelay $0x3  }
0x121: {  	v10 =	vperm.xlane v10, v9  }
0x122: {  	[tilespmem:s1], [sflag:$0x2] =	stream.indirect_vreg.gather [hbm4b:s2+s3], $0x80, v11, vm0, $0xb8;
	[tilespmem:$0x18300] =	vst v63  }
0x123: {  	v10 =	vadd.s32 v8, v10  }
0x124: {  	[tilespmem:s11], [sflag:$0x2] =	stream.indirect_vreg.gather [hbm4b:s5+s3], $0x80, v11, vm0, $0xb8;
	[tilespmem:$0x18300] =	vst v63  }
0x125: {  	_ = 	snop  }
0x126: {  	[tilespmem:s12], [sflag:$0x2] =	stream.indirect_vreg.gather [hbm4b:s6+s3], $0x80, v11, vm0, $0xb8;
	[tilespmem:$0x18300] =	vst v63  }
0x127: {  	_ = 	snop  }
0x128: {  	[tilespmem:s13], [sflag:$0x2] =	stream.indirect_vreg.gather [hbm4b:s2+s3], $0x80, v10, vm0, $0xb8;
	[tilespmem:$0x18300] =	vst v63  }
0x129: {  	_ = 	snop  }
0x12a: {  	[tilespmem:s14], [sflag:$0x2] =	stream.indirect_vreg.gather [hbm4b:s5+s3], $0x80, v10, vm0, $0xb8;
	[tilespmem:$0x18300] =	vst v63  }
0x12b: {  	_ = 	snop  }
0x12c: {  	[tilespmem:s15], [sflag:$0x2] =	stream.indirect_vreg.gather [hbm4b:s6+s3], $0x80, v10, vm0, $0xb8;
	[tilespmem:$0x18300] =	vst v63  }
0x12d: {  	_ =	swait.ge [sflag:s20], $0x6000  }
0x12e: {  	[sflag:s20] =	ssyncset.done $0x0  }
0x12f: {  	s1 =	simm.s32 $0x7;
	s9 =	rddreg [dreg:$0x8];
	[sflag:s20] =	ssyncadd.s32 $0xFFFFA000  }
0x130: {  	[hbm4b:s9+s3] =	stream.linear.scatter [tilespmem:s26], [sflag:$0x5], $0x6000, $0x38;
	[tilespmem:$0x18300] =	vst v63  }
0x131: {  	_ =	swait.ge [sflag:s1], $0x6000  }
0x132: {  	[sflag:s1] =	ssyncset.done $0x0  }
0x133: {  	[sflag:s1] =	ssyncadd.s32 $0xFFFFA000  }
0x134: {  	v10 =	vld [tilespmem:$0x240];
	_ =	sdelay $0x4  }
0x135: {  	v11 =	vshrl.u32 v10, $0x3  }
0x136: {  	v11 =	vmul.u32 $0x30, v11  }
0x137: {  	v10 =	vand.u32 $0x7, v10  }
0x138: {  	v10 =	vor.u32 v10, v11  }
0x139: {  	v11 =	vperm.xlane v10, v7;
	_ =	sdelay $0x1  }
0x13a: {  	v11 =	vadd.s32 v8, v11;
	_ =	sdelay $0x3  }
0x13b: {  	v10 =	vperm.xlane v10, v9  }
0x13c: {  	[tilespmem:s16], [sflag:$0x3] =	stream.indirect_vreg.gather [hbm4b:s2+s3], $0x80, v11, vm0, $0xb8;
	[tilespmem:$0x18300] =	vst v63  }
0x13d: {  	s30 =	simm.s32 $0xCB00;
	v10 =	vadd.s32 v8, v10  }
0x13e: {  	[tilespmem:s30], [sflag:$0x3] =	stream.indirect_vreg.gather [hbm4b:s5+s3], $0x80, v11, vm0, $0xb8;
	[tilespmem:$0x18300] =	vst v63  }
0x13f: {  	s9 =	simm.s32 $0xD300  }
0x140: {  	[tilespmem:s9], [sflag:$0x3] =	stream.indirect_vreg.gather [hbm4b:s6+s3], $0x80, v11, vm0, $0xb8;
	[tilespmem:$0x18300] =	vst v63  }
0x141: {  	s30 =	simm.s32 $0xDB00  }
0x142: {  	[tilespmem:s30], [sflag:$0x3] =	stream.indirect_vreg.gather [hbm4b:s2+s3], $0x80, v10, vm0, $0xb8;
	[tilespmem:$0x18300] =	vst v63  }
0x143: {  	s9 =	simm.s32 $0xE300  }
0x144: {  	[tilespmem:s9], [sflag:$0x3] =	stream.indirect_vreg.gather [hbm4b:s5+s3], $0x80, v10, vm0, $0xb8;
	[tilespmem:$0x18300] =	vst v63  }
0x145: {  	_ = 	snop  }
0x146: {  	[tilespmem:s21], [sflag:$0x3] =	stream.indirect_vreg.gather [hbm4b:s6+s3], $0x80, v10, vm0, $0xb8;
	[tilespmem:$0x18300] =	vst v63  }
0x147: {  	v10 =	vld [tilespmem:$0x250];
	_ =	sdelay $0x4  }
0x148: {  	v11 =	vshrl.u32 v10, $0x3  }
0x149: {  	v11 =	vmul.u32 $0x30, v11  }
0x14a: {  	v10 =	vand.u32 $0x7, v10  }
0x14b: {  	v10 =	vor.u32 v10, v11  }
0x14c: {  	v11 =	vperm.xlane v10, v7;
	_ =	sdelay $0x1  }
0x14d: {  	v11 =	vadd.s32 v8, v11;
	_ =	sdelay $0x3  }
0x14e: {  	v10 =	vperm.xlane v10, v9  }
0x14f: {  	[tilespmem:s24], [sflag:$0x3] =	stream.indirect_vreg.gather [hbm4b:s2+s3], $0x80, v11, vm0, $0xb8;
	[tilespmem:$0x18300] =	vst v63  }
0x150: {  	v10 =	vadd.s32 v8, v10  }
0x151: {  	[tilespmem:s25], [sflag:$0x3] =	stream.indirect_vreg.gather [hbm4b:s5+s3], $0x80, v11, vm0, $0xb8;
	[tilespmem:$0x18300] =	vst v63  }
0x152: {  	s30 =	simm.s32 $0x10300  }
0x153: {  	[tilespmem:s30], [sflag:$0x3] =	stream.indirect_vreg.gather [hbm4b:s6+s3], $0x80, v11, vm0, $0xb8;
	[tilespmem:$0x18300] =	vst v63  }
0x154: {  	_ = 	snop  }
0x155: {  	[tilespmem:s29], [sflag:$0x3] =	stream.indirect_vreg.gather [hbm4b:s2+s3], $0x80, v10, vm0, $0xb8;
	[tilespmem:$0x18300] =	vst v63  }
0x156: {  	s9 =	simm.s32 $0x11300  }
0x157: {  	[tilespmem:s9], [sflag:$0x3] =	stream.indirect_vreg.gather [hbm4b:s5+s3], $0x80, v10, vm0, $0xb8;
	[tilespmem:$0x18300] =	vst v63  }
0x158: {  	s30 =	simm.s32 $0x11B00  }
0x159: {  	[tilespmem:s30], [sflag:$0x3] =	stream.indirect_vreg.gather [hbm4b:s6+s3], $0x80, v10, vm0, $0xb8;
	[tilespmem:$0x18300] =	vst v63  }
0x15a: {  	_ =	swait.ge [sflag:s22], $0x6000  }
0x15b: {  	[sflag:s22] =	ssyncset.done $0x0  }
0x15c: {  	s8 =	simm.s32 $0x8;
	s9 =	rddreg [dreg:$0x9];
	[sflag:s22] =	ssyncadd.s32 $0xFFFFA000  }
0x15d: {  	[hbm4b:s9+s3] =	stream.linear.scatter [tilespmem:s23], [sflag:$0x6], $0x6000, $0x38;
	[tilespmem:$0x18300] =	vst v63  }
0x15e: {  	_ =	swait.ge [sflag:s8], $0x6000  }
0x15f: {  	[sflag:s8] =	ssyncset.done $0x0  }
0x160: {  	[sflag:s8] =	ssyncadd.s32 $0xFFFFA000  }
0x161: {  	v10 =	vld [tilespmem:$0x260];
	_ =	sdelay $0x4  }
0x162: {  	v11 =	vshrl.u32 v10, $0x3  }
0x163: {  	v11 =	vmul.u32 $0x30, v11  }
0x164: {  	v10 =	vand.u32 $0x7, v10  }
0x165: {  	v10 =	vor.u32 v10, v11  }
0x166: {  	v11 =	vperm.xlane v10, v7;
	_ =	sdelay $0x1  }
0x167: {  	v11 =	vadd.s32 v8, v11;
	_ =	sdelay $0x3  }
0x168: {  	v10 =	vperm.xlane v10, v9  }
0x169: {  	[tilespmem:s4], [sflag:$0x4] =	stream.indirect_vreg.gather [hbm4b:s2+s3], $0x80, v11, vm0, $0xb8;
	[tilespmem:$0x18300] =	vst v63  }
0x16a: {  	s30 =	simm.s32 $0x12B00;
	v10 =	vadd.s32 v8, v10  }
0x16b: {  	[tilespmem:s30], [sflag:$0x4] =	stream.indirect_vreg.gather [hbm4b:s5+s3], $0x80, v11, vm0, $0xb8;
	[tilespmem:$0x18300] =	vst v63  }
0x16c: {  	s30 =	simm.s32 $0x13300  }
0x16d: {  	[tilespmem:s30], [sflag:$0x4] =	stream.indirect_vreg.gather [hbm4b:s6+s3], $0x80, v11, vm0, $0xb8;
	[tilespmem:$0x18300] =	vst v63  }
0x16e: {  	s30 =	simm.s32 $0x13B00  }
0x16f: {  	[tilespmem:s30], [sflag:$0x4] =	stream.indirect_vreg.gather [hbm4b:s2+s3], $0x80, v10, vm0, $0xb8;
	[tilespmem:$0x18300] =	vst v63  }
0x170: {  	s30 =	simm.s32 $0x14300  }
0x171: {  	[tilespmem:s30], [sflag:$0x4] =	stream.indirect_vreg.gather [hbm4b:s5+s3], $0x80, v10, vm0, $0xb8;
	[tilespmem:$0x18300] =	vst v63  }
0x172: {  	s30 =	simm.s32 $0x14B00  }
0x173: {  	[tilespmem:s30], [sflag:$0x4] =	stream.indirect_vreg.gather [hbm4b:s6+s3], $0x80, v10, vm0, $0xb8;
	[tilespmem:$0x18300] =	vst v63  }
0x174: {  	v10 =	vld [tilespmem:$0x270];
	_ =	sdelay $0x4  }
0x175: {  	v11 =	vshrl.u32 v10, $0x3  }
0x176: {  	v11 =	vmul.u32 $0x30, v11  }
0x177: {  	v10 =	vand.u32 $0x7, v10  }
0x178: {  	v10 =	vor.u32 v10, v11  }
0x179: {  	v11 =	vperm.xlane v10, v7;
	_ =	sdelay $0x1  }
0x17a: {  	v11 =	vadd.s32 v8, v11;
	_ =	sdelay $0x3  }
0x17b: {  	s30 =	simm.s32 $0x15300;
	v10 =	vperm.xlane v10, v9  }
0x17c: {  	[tilespmem:s30], [sflag:$0x4] =	stream.indirect_vreg.gather [hbm4b:s2+s3], $0x80, v11, vm0, $0xb8;
	[tilespmem:$0x18300] =	vst v63  }
0x17d: {  	v10 =	vadd.s32 v8, v10;
	s30 =	simm.s32 $0x15B00  }
0x17e: {  	[tilespmem:s30], [sflag:$0x4] =	stream.indirect_vreg.gather [hbm4b:s5+s3], $0x80, v11, vm0, $0xb8;
	[tilespmem:$0x18300] =	vst v63  }
0x17f: {  	s30 =	simm.s32 $0x16300  }
0x180: {  	[tilespmem:s30], [sflag:$0x4] =	stream.indirect_vreg.gather [hbm4b:s6+s3], $0x80, v11, vm0, $0xb8;
	[tilespmem:$0x18300] =	vst v63  }
0x181: {  	s30 =	simm.s32 $0x16B00  }
0x182: {  	[tilespmem:s30], [sflag:$0x4] =	stream.indirect_vreg.gather [hbm4b:s2+s3], $0x80, v10, vm0, $0xb8;
	[tilespmem:$0x18300] =	vst v63  }
0x183: {  	s30 =	simm.s32 $0x17300  }
0x184: {  	[tilespmem:s30], [sflag:$0x4] =	stream.indirect_vreg.gather [hbm4b:s5+s3], $0x80, v10, vm0, $0xb8;
	[tilespmem:$0x18300] =	vst v63  }
0x185: {  	s30 =	simm.s32 $0x17B00  }
0x186: {  	[tilespmem:s30], [sflag:$0x4] =	stream.indirect_vreg.gather [hbm4b:s6+s3], $0x80, v10, vm0, $0xb8;
	[tilespmem:$0x18300] =	vst v63  }
0x187: {  	_ =	swait.ge [sflag:s17], $0x6000  }
0x188: {  	[sflag:s17] =	ssyncset.done $0x0  }
0x189: {  	s9 =	rddreg [dreg:$0xa];
	[sflag:s17] =	ssyncadd.s32 $0xFFFFA000  }
0x18a: {  	[hbm4b:s9+s3] =	stream.linear.scatter [tilespmem:s16], [sflag:$0x7], $0x6000, $0x38;
	[tilespmem:$0x18300] =	vst v63  }
0x18b: {  	_ =	swait.ge [sflag:s0], $0x6000  }
0x18c: {  	[sflag:s0] =	ssyncset.done $0x0  }
0x18d: {  	[sflag:s0] =	ssyncadd.s32 $0xFFFFA000  }
0x18e: {  	v10 =	vld [tilespmem:$0x280];
	_ =	sdelay $0x4  }
0x18f: {  	v11 =	vshrl.u32 v10, $0x3  }
0x190: {  	v11 =	vmul.u32 $0x30, v11  }
0x191: {  	v10 =	vand.u32 $0x7, v10  }
0x192: {  	v10 =	vor.u32 v10, v11  }
0x193: {  	v11 =	vperm.xlane v10, v7;
	_ =	sdelay $0x1  }
0x194: {  	v11 =	vadd.s32 v8, v11;
	_ =	sdelay $0x3  }
0x195: {  	v10 =	vperm.xlane v10, v9  }
0x196: {  	[tilespmem:s26], [sflag:$0x1] =	stream.indirect_vreg.gather [hbm4b:s2+s3], $0x80, v11, vm0, $0xb8;
	[tilespmem:$0x18300] =	vst v63  }
0x197: {  	s30 =	simm.s32 $0xB00;
	v10 =	vadd.s32 v8, v10  }
0x198: {  	[tilespmem:s30], [sflag:$0x1] =	stream.indirect_vreg.gather [hbm4b:s5+s3], $0x80, v11, vm0, $0xb8;
	[tilespmem:$0x18300] =	vst v63  }
0x199: {  	s17 =	simm.s32 $0x1300  }
0x19a: {  	[tilespmem:s17], [sflag:$0x1] =	stream.indirect_vreg.gather [hbm4b:s6+s3], $0x80, v11, vm0, $0xb8;
	[tilespmem:$0x18300] =	vst v63  }
0x19b: {  	s30 =	simm.s32 $0x1B00  }
0x19c: {  	[tilespmem:s30], [sflag:$0x1] =	stream.indirect_vreg.gather [hbm4b:s2+s3], $0x80, v10, vm0, $0xb8;
	[tilespmem:$0x18300] =	vst v63  }
0x19d: {  	s17 =	simm.s32 $0x2300  }
0x19e: {  	[tilespmem:s17], [sflag:$0x1] =	stream.indirect_vreg.gather [hbm4b:s5+s3], $0x80, v10, vm0, $0xb8;
	[tilespmem:$0x18300] =	vst v63  }
0x19f: {  	s30 =	simm.s32 $0x2B00  }
0x1a0: {  	[tilespmem:s30], [sflag:$0x1] =	stream.indirect_vreg.gather [hbm4b:s6+s3], $0x80, v10, vm0, $0xb8;
	[tilespmem:$0x18300] =	vst v63  }
0x1a1: {  	v10 =	vld [tilespmem:$0x290];
	_ =	sdelay $0x4  }
0x1a2: {  	v11 =	vshrl.u32 v10, $0x3  }
0x1a3: {  	v11 =	vmul.u32 $0x30, v11  }
0x1a4: {  	v10 =	vand.u32 $0x7, v10  }
0x1a5: {  	v10 =	vor.u32 v10, v11  }
0x1a6: {  	v11 =	vperm.xlane v10, v7;
	_ =	sdelay $0x1  }
0x1a7: {  	v11 =	vadd.s32 v8, v11;
	_ =	sdelay $0x3  }
0x1a8: {  	s17 =	simm.s32 $0x3300;
	v10 =	vperm.xlane v10, v9  }
0x1a9: {  	[tilespmem:s17], [sflag:$0x1] =	stream.indirect_vreg.gather [hbm4b:s2+s3], $0x80, v11, vm0, $0xb8;
	[tilespmem:$0x18300] =	vst v63  }
0x1aa: {  	s30 =	simm.s32 $0x3B00;
	v10 =	vadd.s32 v8, v10  }
0x1ab: {  	[tilespmem:s30], [sflag:$0x1] =	stream.indirect_vreg.gather [hbm4b:s5+s3], $0x80, v11, vm0, $0xb8;
	[tilespmem:$0x18300] =	vst v63  }
0x1ac: {  	s17 =	simm.s32 $0x4300  }
0x1ad: {  	[tilespmem:s17], [sflag:$0x1] =	stream.indirect_vreg.gather [hbm4b:s6+s3], $0x80, v11, vm0, $0xb8;
	[tilespmem:$0x18300] =	vst v63  }
0x1ae: {  	s30 =	simm.s32 $0x4B00  }
0x1af: {  	[tilespmem:s30], [sflag:$0x1] =	stream.indirect_vreg.gather [hbm4b:s2+s3], $0x80, v10, vm0, $0xb8;
	[tilespmem:$0x18300] =	vst v63  }
0x1b0: {  	s17 =	simm.s32 $0x5300  }
0x1b1: {  	[tilespmem:s17], [sflag:$0x1] =	stream.indirect_vreg.gather [hbm4b:s5+s3], $0x80, v10, vm0, $0xb8;
	[tilespmem:$0x18300] =	vst v63  }
0x1b2: {  	s30 =	simm.s32 $0x5B00  }
0x1b3: {  	[tilespmem:s30], [sflag:$0x1] =	stream.indirect_vreg.gather [hbm4b:s6+s3], $0x80, v10, vm0, $0xb8;
	[tilespmem:$0x18300] =	vst v63  }
0x1b4: {  	_ =	swait.ge [sflag:s18], $0x6000  }
0x1b5: {  	[sflag:s18] =	ssyncset.done $0x0  }
0x1b6: {  	s17 =	rddreg [dreg:$0xb];
	[sflag:s18] =	ssyncadd.s32 $0xFFFFA000  }
0x1b7: {  	[hbm4b:s17+s3] =	stream.linear.scatter [tilespmem:s4], [sflag:$0x8], $0x6000, $0x38;
	[tilespmem:$0x18300] =	vst v63  }
0x1b8: {  	_ =	swait.ge [sflag:s20], $0x6000  }
0x1b9: {  	[sflag:s20] =	ssyncset.done $0x0  }
0x1ba: {  	s18 =	rddreg [dreg:$0xc];
	[sflag:s20] =	ssyncadd.s32 $0xFFFFA000  }
0x1bb: {  	[hbm4b:s18+s3] =	stream.linear.scatter [tilespmem:s26], [sflag:$0x5], $0x6000, $0x38;
	[tilespmem:$0x18300] =	vst v63  }
0x1bc: {  	_ =	swait.ge [sflag:s19], $0x6000  }
0x1bd: {  	[sflag:s19] =	ssyncset.done $0x0  }
0x1be: {  	[sflag:s19] =	ssyncadd.s32 $0xFFFFA000  }
0x1bf: {  	_ =	swait.ge [sflag:s1], $0x6000  }
0x1c0: {  	[sflag:s1] =	ssyncset.done $0x0  }
0x1c1: {  	[sflag:s1] =	ssyncadd.s32 $0xFFFFA000  }
0x1c2: {  	p0 =	sne.s32 s7, $0x1;
	_ =	swait.ge [sflag:s8], $0x6000  }
.Ltmp0:
0x1c3: {  	[sflag:s8] =	ssyncset.done $0x0;
	(pc) =	sbr.rel @p0 .LBB2_1-.Ltmp0, $4  }
0x1c4: {  	[sflag:s8] =	ssyncadd.s32 $0xFFFFA000  }
0x1c5: {  	_ =	swait.ge [sflag:s0], $0x6000  }
0x1c6: {  	[sflag:s0] =	ssyncset.done $0x0  }
0x1c7: {  	s7 =	sadd.s32 $0xFFFFFFFF, s7;
	[sflag:s0] =	ssyncadd.s32 $0xFFFFA000  }
0x1c8: {  	_ =	sfence.sel $0x180000  }
0x1c9: {  	[bflag:$0x0] =	sbarrier.arrive $0xFFFF  }
0x1ca: {  	_ =	strace $0x90000047  }
0x1cb: {  	s0 =	stileid.u32;
	[bflag:$0x2] =	sbarrier.arrive $0xFFFF  }
0x1cc: {  	p0 =	sne.s32 s0, $0x0;
	s0 =	rddreg [dreg:$0x3]  }
0x1cd: {  	s0 =	sadd.s32 @!p0 $0x100000, s0  }
0x1ce: {  	[sflag:s0] =	ssyncadd.tile.s32 @!p0 $0x1;
	_ =	shalt  }
.Lfunc_end2:
_tile_overlayer_lowered:
.L_overlay_start_2:
0x1cf: {  	(tag) =	ssettag $0x2  }
0x1d0: {  	s0 =	rddreg [dreg:$0x0];
	s2 =	stileid.u32  }
0x1d1: {  	s1 =	rddreg [dreg:$0x1];
	p0 =	sne.s32 s2, $0x0  }
0x1d2: {  	s3 =	rddreg [dreg:$0x2];
	[bflag:$0x3] =	sbarrier.arrive $0xFFFF;
	s2 =	simm.s32 @!p0 $0x1C09  }
0x1d3: {  	[timem:s3], [sflag:s2] =	dma.local @!p0 [hbm:s0], s1  }
0x1d4: {  	s0 =	simm.s32 @!p0 $0x9  }
0x1d5: {  	_ =	swait.ge @!p0 [sflag:s0], s1  }
0x1d6: {  	s1 =	ssub.s32 @!p0 $0x0, s1;
	[sflag:s0] =	ssyncset.done @!p0 $0x0  }
0x1d7: {  	[sflag:s0] =	ssyncadd.s32 @!p0 s1  }
0x1d8: {  	[bflag:$0x3] =	sbarrier.arrive $0xFFFF  }
0x1d9: {  	_ =	shalt  }

</sc_bundles>
